<compile_context>
chip_gen: v7x
topology: tpu7x:2x2x1
jax: 0.10.2.dev20260603
libtpu: 0.0.44.dev20260713+nightly
codegen_flags: <defaults>
</compile_context>

<pallas_src>
import functools

import jax
import jax.numpy as jnp
from jax import lax
from jax.experimental import pallas as pl
from jax.experimental.pallas import tpu as pltpu
from jax.experimental.pallas import tpu_sc as plsc

N = 10000
E = 320000
H = 128

_NC = 2
_NS = 16
_NW = _NC * _NS
_EPT = E // _NW


_NR = 80
_NL = 128
_NP = _NR * _NL
_CHUNK = 16


_WIN = 10112


@functools.lru_cache(maxsize=1)
def _make_sc_segment():
    @functools.partial(
        pl.kernel,
        out_type=[
            jax.ShapeDtypeStruct((_NC, _NR, _NL), jnp.float32),
            jax.ShapeDtypeStruct((_NC, _NR, _NL), jnp.float32),
        ],
        mesh=plsc.VectorSubcoreMesh(core_axis_name="c", subcore_axis_name="s"),
        compiler_params=pltpu.CompilerParams(
            needs_layout_passes=False, use_tc_tiling_on_sc=False),
        scratch_types=[
            pltpu.VMEM((N,), jnp.float32),
            pltpu.VMEM((2, _WIN), jnp.int32),
            pltpu.VMEM((_NR, _NL), jnp.float32),
            pltpu.VMEM((_NR, _NL), jnp.float32),
            pltpu.VMEM((_NR,), jnp.int32),
            pltpu.VMEM_SHARED((_NR, _NL), jnp.float32),
            pltpu.VMEM_SHARED((_NR, _NL), jnp.float32),
        ],
    )
    def _sc_segment(x_hbm, ei_hbm, zeros_hbm, s_out, d_out,
                    x_v, ei_v, acc_s, acc_d, rows_v, sh_s, sh_d):
        c = lax.axis_index("c")
        s = lax.axis_index("s")
        base = (c * _NS + s) * _EPT
        off0 = lax.rem(base, _NL)
        awin0 = base - off0

        pltpu.sync_copy(x_hbm, x_v)
        pltpu.sync_copy(ei_hbm.at[:, pl.ds(awin0, _WIN)], ei_v)
        pltpu.sync_copy(zeros_hbm, acc_s)
        pltpu.sync_copy(zeros_hbm, acc_d)

        @pl.when(s == 0)
        def _():
            pltpu.sync_copy(zeros_hbm, sh_s)
            pltpu.sync_copy(zeros_hbm, sh_d)

        ones16 = jnp.ones((_CHUNK,), jnp.float32)
        zeros16i = jnp.zeros((_CHUNK,), jnp.int32)
        ones16i = jnp.ones((_CHUNK,), jnp.int32)
        iota16 = lax.iota(jnp.int32, _CHUNK)

        for k in range(_NR // _CHUNK):
            rows_v[pl.ds(k * _CHUNK, _CHUNK)] = iota16 + k * _CHUNK

        @plsc.parallel_loop(0, _EPT // _CHUNK, 1, unroll=8)
        def body(j):
            o = off0 + j * _CHUNK
            sidx = ei_v[0, pl.ds(o, _CHUNK)]
            didx = ei_v[1, pl.ds(o, _CHUNK)]
            row = lax.shift_right_logical(didx, 7)
            col = lax.bitwise_and(didx, 127)
            vals = plsc.load_gather(x_v, [sidx])
            plsc.addupdate_scatter(acc_s, [row, col], vals)
            plsc.addupdate_scatter(acc_d, [row, col], ones16)

        plsc.subcore_barrier()
        pltpu.sync_copy(acc_s, sh_s.at[rows_v], add=True)
        pltpu.sync_copy(acc_d, sh_d.at[rows_v], add=True)
        plsc.subcore_barrier()

        @pl.when(s == 0)
        def _():
            pltpu.sync_copy(sh_s, s_out.at[c])
            pltpu.sync_copy(sh_d, d_out.at[c])

    return _sc_segment


_TROWS = 16
_TBLK = _TROWS * _NL


def _tc_body(x_ref, s_ref, d_ref, wenc_ref, benc_ref, wself_ref, wneigh_ref,
             bproc_ref, wdec_ref, bdec_ref, wterm_ref, bterm_ref,
             y_ref, h_ref, t_ref, cmax_ref, csum_ref):
    i = pl.program_id(0)
    w0 = wenc_ref[0:1, :]
    benc = benc_ref[...]
    u = jnp.dot(w0, wself_ref[...], preferred_element_type=jnp.float32)
    v = jnp.dot(w0, wneigh_ref[...], preferred_element_type=jnp.float32)
    cbias = (jnp.dot(benc, wself_ref[...], preferred_element_type=jnp.float32)
             + bproc_ref[...])
    cflag = jnp.dot(benc, wneigh_ref[...], preferred_element_type=jnp.float32)
    wd = wdec_ref[...]
    wd_h = wd[:H, :]
    alpha = jnp.dot(w0, wd[H:, :], preferred_element_type=jnp.float32)[0, 0]
    gamma = (jnp.dot(benc, wd[H:, :], preferred_element_type=jnp.float32)[0, 0]
             + bdec_ref[0, 0])

    ssum = s_ref[0] + s_ref[1]
    dsum = d_ref[0] + d_ref[1]
    m_rows = ssum / jnp.maximum(dsum, 1.0)
    f_rows = (dsum > 0.0).astype(jnp.float32)
    mT = jnp.transpose(m_rows)
    fT = jnp.transpose(f_rows)
    xT = jnp.transpose(x_ref[...])

    nbase = i * _TBLK
    sub_iota = lax.broadcasted_iota(jnp.int32, (_NL, 1), 0)

    bmax = None
    bsum = None
    for r in range(_TROWS):
        m_col = mT[:, r:r + 1]
        f_col = fT[:, r:r + 1]
        x_col = xT[:, r:r + 1]
        tile = jnp.maximum(
            x_col * u + m_col * v + f_col * cflag + cbias, 0.0)
        h_ref[r * _NL:(r + 1) * _NL, :] = tile
        yl = (jnp.dot(tile, wd_h, preferred_element_type=jnp.float32)
              + x_col * alpha + gamma)
        y_ref[r * _NL:(r + 1) * _NL, :] = jax.nn.sigmoid(yl)
        valid = (sub_iota + (nbase + r * _NL)) < N
        tile0 = jnp.where(valid, tile, 0.0)
        tmax = jnp.max(tile0, axis=0, keepdims=True)
        tsum = jnp.sum(tile0, axis=0, keepdims=True)
        bmax = tmax if bmax is None else jnp.maximum(bmax, tmax)
        bsum = tsum if bsum is None else bsum + tsum

    @pl.when(i == 0)
    def _():
        cmax_ref[...] = bmax
        csum_ref[...] = bsum

    @pl.when(i > 0)
    def _():
        cmax_ref[...] = jnp.maximum(cmax_ref[...], bmax)
        csum_ref[...] = csum_ref[...] + bsum

    @pl.when(i == pl.num_programs(0) - 1)
    def _():
        wt = wterm_ref[...]
        tv = (jnp.dot(cmax_ref[...], wt[:H, :],
                      preferred_element_type=jnp.float32)
              + jnp.dot(csum_ref[...] / N, wt[H:, :],
                        preferred_element_type=jnp.float32))
        t_ref[...] = jax.nn.sigmoid(tv + bterm_ref[...])


def _tc_call(x, s2, d2, W_enc, b_enc, W_self, W_neigh, b_proc,
             W_dec, b_dec, W_term, b_term):
    grid = (-(-N // _TBLK),)
    full = lambda shape: pl.BlockSpec(shape, lambda i: (0,) * len(shape))
    return pl.pallas_call(
        _tc_body,
        grid=grid,
        in_specs=[
            pl.BlockSpec((_TROWS, _NL), lambda i: (i, 0)),
            pl.BlockSpec((_NC, _TROWS, _NL), lambda i: (0, i, 0)),
            pl.BlockSpec((_NC, _TROWS, _NL), lambda i: (0, i, 0)),
            full((H + 1, H)),
            full((1, H)),
            full((H, H)),
            full((H, H)),
            full((1, H)),
            full((2 * H, 1)),
            full((1, 1)),
            full((2 * H, 1)),
            full((1, 1)),
        ],
        out_specs=[
            pl.BlockSpec((_TBLK, 1), lambda i: (i, 0)),
            pl.BlockSpec((_TBLK, H), lambda i: (i, 0)),
            pl.BlockSpec((1, 1), lambda i: (0, 0)),
        ],
        out_shape=[
            jax.ShapeDtypeStruct((N, 1), jnp.float32),
            jax.ShapeDtypeStruct((N, H), jnp.float32),
            jax.ShapeDtypeStruct((1, 1), jnp.float32),
        ],
        scratch_shapes=[
            pltpu.VMEM((1, H), jnp.float32),
            pltpu.VMEM((1, H), jnp.float32),
        ],
    )(x, s2, d2, W_enc, b_enc, W_self, W_neigh, b_proc,
      W_dec, b_dec, W_term, b_term)


def kernel(x, edge_index, W_enc, b_enc, W_self, W_neigh, b_proc,
           W_dec, b_dec, W_term, b_term):
    zeros_np = jnp.zeros((_NR, _NL), jnp.float32)
    x_flat = x.reshape(N)
    s2, d2 = _make_sc_segment()(x_flat, edge_index, zeros_np)
    x_grid = jnp.pad(x_flat, (0, _NP - N)).reshape(_NR, _NL)
    y, h, t = _tc_call(
        x_grid, s2, d2, W_enc,
        b_enc.reshape(1, H), W_self, W_neigh, b_proc.reshape(1, H),
        W_dec, b_dec.reshape(1, 1), W_term, b_term.reshape(1, 1))
    return y, h, t.reshape(1)

# --- scband reference (transcript-rebuilt; emitter-appended) ---
"""Pipeline reference for scband-base-model-11166914969999 (READ-ONLY COPY).

The authoritative reference and input builder live on the scoring server;
editing this copy changes nothing except your own understanding.
"""

import jax, jax.numpy as jnp
import numpy as np

N = 10000
E = 320000
H = 128

def setup_inputs(seed: int = 0) -> dict:
    key = jax.random.key(seed)
    ks = jax.random.split(key, 12)
    x = jax.random.normal(ks[0], (N, 1), dtype=jnp.float32)
    edge_index = jax.random.randint(ks[1], (2, E), 0, N, dtype=jnp.int32)
    s_enc = 1.0 / np.sqrt(H + 1)
    s_h = 1.0 / np.sqrt(H)
    s_2h = 1.0 / np.sqrt(2 * H)
    W_enc = jax.random.normal(ks[2], (H + 1, H), dtype=jnp.float32) * s_enc
    b_enc = jnp.zeros((H,), dtype=jnp.float32)
    W_self = jax.random.normal(ks[3], (H, H), dtype=jnp.float32) * s_h
    W_neigh = jax.random.normal(ks[4], (H, H), dtype=jnp.float32) * s_h
    b_proc = jnp.zeros((H,), dtype=jnp.float32)
    W_dec = jax.random.normal(ks[5], (2 * H, 1), dtype=jnp.float32) * s_2h
    b_dec = jnp.zeros((1,), dtype=jnp.float32)
    W_term = jax.random.normal(ks[6], (2 * H, 1), dtype=jnp.float32) * s_2h
    b_term = jnp.zeros((1,), dtype=jnp.float32)
    return {"x": x, "edge_index": edge_index, "W_enc": W_enc, "b_enc": b_enc,
            "W_self": W_self, "W_neigh": W_neigh, "b_proc": b_proc,
            "W_dec": W_dec, "b_dec": b_dec, "W_term": W_term, "b_term": b_term}

def reference(x, edge_index, W_enc, b_enc, W_self, W_neigh, b_proc, W_dec, b_dec, W_term, b_term):
    n = x.shape[0]
    # h is None -> zeros_like(x).repeat(1, hidden_dim) => [N, H] zeros
    h0 = jnp.zeros((n, H), dtype=x.dtype)
    z = jnp.concatenate([x, h0], axis=1) @ W_enc + b_enc
    # processor: GraphSAGE-mean message passing layer (concrete _get_layer choice)
    src = edge_index[0]
    dst = edge_index[1]
    msgs = z[src]  # gather: [E, H]
    agg = jax.ops.segment_sum(msgs, dst, num_segments=n)
    deg = jax.ops.segment_sum(jnp.ones((msgs.shape[0],), dtype=z.dtype), dst, num_segments=n)
    agg = agg / jnp.clip(deg, 1.0)[:, None]
    h = jax.nn.relu(z @ W_self + agg @ W_neigh + b_proc)
    # decoder with last_layer_activation='sigmoid'
    y = jax.nn.sigmoid(jnp.concatenate([h, z], axis=1) @ W_dec + b_dec)
    # mean node embedding broadcast
    h_bar = jnp.tile(jnp.sum(h, axis=0, keepdims=True), (n, 1)) / n
    t_in = jnp.concatenate([h, h_bar], axis=1)  # [N, 2H]
    # adaptive_max_pool1d over nodes -> [2H], then Linear(2H,1)
    pooled = jnp.max(t_in, axis=0)
    t = jax.nn.sigmoid(pooled @ W_term + b_term)
    return (y, h, t)

if __name__ == "__main__":
    import jax
    _d = setup_inputs()
    print(jax.jit(kernel)(*tuple(_d.values())))

</pallas_src>

<mosaic_0001>
#map = affine_map<(d0, d1) -> (0)>
#map1 = affine_map<(d0, d1) -> (0, 0)>
#map2 = affine_map<(d0, d1) -> (0, 0, 0)>
module attributes {stable_mosaic.version = 14 : i64} {
  func.func @_sc_segment(%arg0: i32, %arg1: i32, %arg2: memref<10000xf32, #tpu.memory_space<hbm>>, %arg3: memref<2x320000xi32, #tpu.memory_space<hbm>>, %arg4: memref<80x128xf32, #tpu.memory_space<hbm>>, %arg5: memref<2x80x128xf32, #tpu.memory_space<hbm>>, %arg6: memref<2x80x128xf32, #tpu.memory_space<hbm>>, %arg7: memref<10000xf32, #tpu.memory_space<vmem>>, %arg8: memref<2x10112xi32, #tpu.memory_space<vmem>>, %arg9: memref<80x128xf32, #tpu.memory_space<vmem>>, %arg10: memref<80x128xf32, #tpu.memory_space<vmem>>, %arg11: memref<80xi32, #tpu.memory_space<vmem>>, %arg12: memref<80x128xf32, #tpu.memory_space<vmem_shared>>, %arg13: memref<80x128xf32, #tpu.memory_space<vmem_shared>>) attributes {dimension_semantics = [#tpu.dimension_semantics<core_parallel>, #tpu.dimension_semantics<subcore_parallel>], iteration_bounds = array<i64: 2, 16>, scalar_prefetch = 0 : i64, scratch_operands = 7 : i64, tpu.core_type = #tpu.core_type<sc_vector_subcore>, window_params = [{transform_indices = #map}, {transform_indices = #map1}, {transform_indices = #map1}, {transform_indices = #map2}, {transform_indices = #map2}]} {
    %mul3A = arith.constant 16 : i32
    %mul3A_0 = arith.muli %arg0, %mul3A : i32
    %add3A = arith.addi %mul3A_0, %arg1 : i32
    %mul3A_1 = arith.constant 10000 : i32
    %mul3A_2 = arith.muli %add3A, %mul3A_1 : i32
    %rem3A = arith.constant 128 : i32
    %rem3A_3 = arith.remsi %mul3A_2, %rem3A : i32
    %sub3A = arith.subi %mul3A_2, %rem3A_3 : i32
    "tpu.region"() ({
      %run_scoped3A = tpu.sem_alloc : memref<!tpu.dma_semaphore, #tpu.memory_space<semaphore_mem>>
      tpu.enqueue_dma source(%arg2 : memref<10000xf32, #tpu.memory_space<hbm>>) target(%arg7 : memref<10000xf32, #tpu.memory_space<vmem>>) target_semaphore(%run_scoped3A : memref<!tpu.dma_semaphore, #tpu.memory_space<semaphore_mem>>)
      tpu.wait_dma2 semaphore(%run_scoped3A : memref<!tpu.dma_semaphore, #tpu.memory_space<semaphore_mem>>) src(%arg2 : memref<10000xf32, #tpu.memory_space<hbm>>) dst(%arg7 : memref<10000xf32, #tpu.memory_space<vmem>>)
      tpu.yield
    }) : () -> ()
    "tpu.region"() ({
      %run_scoped3A = tpu.sem_alloc : memref<!tpu.dma_semaphore, #tpu.memory_space<semaphore_mem>>
      %dma_start3A = arith.constant 0 : i32
      %dma_start3A_43 = tpu.memref_slice %arg3[%dma_start3A, %sub3A] : memref<2x320000xi32, #tpu.memory_space<hbm>> -> memref<2x10112xi32, #tpu.memory_space<hbm>>
      %dma_start3A_44 = arith.constant 0 : i32
      %dma_start3A_45 = tpu.memref_slice %arg3[%dma_start3A_44, %sub3A] : memref<2x320000xi32, #tpu.memory_space<hbm>> -> memref<2x10112xi32, #tpu.memory_space<hbm>>
      tpu.enqueue_dma source(%dma_start3A_45 : memref<2x10112xi32, #tpu.memory_space<hbm>>) target(%arg8 : memref<2x10112xi32, #tpu.memory_space<vmem>>) target_semaphore(%run_scoped3A : memref<!tpu.dma_semaphore, #tpu.memory_space<semaphore_mem>>)
      %dma_wait3A = arith.constant 0 : i32
      %dma_wait3A_46 = tpu.memref_slice %arg3[%dma_wait3A, %sub3A] : memref<2x320000xi32, #tpu.memory_space<hbm>> -> memref<2x10112xi32, #tpu.memory_space<hbm>>
      %dma_wait3A_47 = arith.constant 0 : i32
      %dma_wait3A_48 = tpu.memref_slice %arg3[%dma_wait3A_47, %sub3A] : memref<2x320000xi32, #tpu.memory_space<hbm>> -> memref<2x10112xi32, #tpu.memory_space<hbm>>
      tpu.wait_dma2 semaphore(%run_scoped3A : memref<!tpu.dma_semaphore, #tpu.memory_space<semaphore_mem>>) src(%dma_wait3A_48 : memref<2x10112xi32, #tpu.memory_space<hbm>>) dst(%arg8 : memref<2x10112xi32, #tpu.memory_space<vmem>>)
      tpu.yield
    }) : () -> ()
    "tpu.region"() ({
      %run_scoped3A = tpu.sem_alloc : memref<!tpu.dma_semaphore, #tpu.memory_space<semaphore_mem>>
      tpu.enqueue_dma source(%arg4 : memref<80x128xf32, #tpu.memory_space<hbm>>) target(%arg9 : memref<80x128xf32, #tpu.memory_space<vmem>>) target_semaphore(%run_scoped3A : memref<!tpu.dma_semaphore, #tpu.memory_space<semaphore_mem>>)
      tpu.wait_dma2 semaphore(%run_scoped3A : memref<!tpu.dma_semaphore, #tpu.memory_space<semaphore_mem>>) src(%arg4 : memref<80x128xf32, #tpu.memory_space<hbm>>) dst(%arg9 : memref<80x128xf32, #tpu.memory_space<vmem>>)
      tpu.yield
    }) : () -> ()
    "tpu.region"() ({
      %run_scoped3A = tpu.sem_alloc : memref<!tpu.dma_semaphore, #tpu.memory_space<semaphore_mem>>
      tpu.enqueue_dma source(%arg4 : memref<80x128xf32, #tpu.memory_space<hbm>>) target(%arg10 : memref<80x128xf32, #tpu.memory_space<vmem>>) target_semaphore(%run_scoped3A : memref<!tpu.dma_semaphore, #tpu.memory_space<semaphore_mem>>)
      tpu.wait_dma2 semaphore(%run_scoped3A : memref<!tpu.dma_semaphore, #tpu.memory_space<semaphore_mem>>) src(%arg4 : memref<80x128xf32, #tpu.memory_space<hbm>>) dst(%arg10 : memref<80x128xf32, #tpu.memory_space<vmem>>)
      tpu.yield
    }) : () -> ()
    %eq3A = arith.constant 0 : i32
    %eq3A_4 = arith.cmpi eq, %arg1, %eq3A : i32
    %convert_element_type3A = arith.extui %eq3A_4 : i1 to i32
    %cond3A = arith.constant 0 : i32
    %cond3A_5 = arith.cmpi ne, %convert_element_type3A, %cond3A : i32
    scf.if %cond3A_5 {
      "tpu.region"() ({
        %run_scoped3A = tpu.sem_alloc : memref<!tpu.dma_semaphore, #tpu.memory_space<semaphore_mem>>
        tpu.enqueue_dma source(%arg4 : memref<80x128xf32, #tpu.memory_space<hbm>>) target(%arg12 : memref<80x128xf32, #tpu.memory_space<vmem_shared>>) target_semaphore(%run_scoped3A : memref<!tpu.dma_semaphore, #tpu.memory_space<semaphore_mem>>)
        tpu.wait_dma2 semaphore(%run_scoped3A : memref<!tpu.dma_semaphore, #tpu.memory_space<semaphore_mem>>) src(%arg4 : memref<80x128xf32, #tpu.memory_space<hbm>>) dst(%arg12 : memref<80x128xf32, #tpu.memory_space<vmem_shared>>)
        tpu.yield
      }) : () -> ()
      "tpu.region"() ({
        %run_scoped3A = tpu.sem_alloc : memref<!tpu.dma_semaphore, #tpu.memory_space<semaphore_mem>>
        tpu.enqueue_dma source(%arg4 : memref<80x128xf32, #tpu.memory_space<hbm>>) target(%arg13 : memref<80x128xf32, #tpu.memory_space<vmem_shared>>) target_semaphore(%run_scoped3A : memref<!tpu.dma_semaphore, #tpu.memory_space<semaphore_mem>>)
        tpu.wait_dma2 semaphore(%run_scoped3A : memref<!tpu.dma_semaphore, #tpu.memory_space<semaphore_mem>>) src(%arg4 : memref<80x128xf32, #tpu.memory_space<hbm>>) dst(%arg13 : memref<80x128xf32, #tpu.memory_space<vmem_shared>>)
        tpu.yield
      }) : () -> ()
    } else {
    }
    %broadcast_in_dim3A = arith.constant 1.000000e+00 : f32
    %broadcast_in_dim3A_6 = vector.broadcast %broadcast_in_dim3A : f32 to vector<16xf32>
    %broadcast_in_dim3A_7 = arith.constant 0 : i32
    %broadcast_in_dim3A_8 = vector.broadcast %broadcast_in_dim3A_7 : i32 to vector<16xi32>
    %broadcast_in_dim3A_9 = arith.constant 1 : i32
    %broadcast_in_dim3A_10 = vector.broadcast %broadcast_in_dim3A_9 : i32 to vector<16xi32>
    %iota3A = tpu.iota {dimensions = array<i32: 0>} : vector<16xi32>
    %add3A_11 = arith.constant 0 : i32
    %add3A_12 = vector.broadcast %add3A_11 : i32 to vector<16xi32>
    %add3A_13 = arith.addi %iota3A, %add3A_12 : vector<16xi32>
    %swap3A = arith.constant 0 : index
    %swap3A_14 = tpu.vector_load %arg11[%swap3A] {strides = array<i32>} : memref<80xi32, #tpu.memory_space<vmem>>, vector<16xi32>,
    tpu.vector_store %arg11[%swap3A], %add3A_13 {strides = array<i32>} : memref<80xi32, #tpu.memory_space<vmem>>, vector<16xi32>,
    %add3A_15 = arith.constant 16 : i32
    %add3A_16 = vector.broadcast %add3A_15 : i32 to vector<16xi32>
    %add3A_17 = arith.addi %iota3A, %add3A_16 : vector<16xi32>
    %swap3A_18 = arith.constant 16 : index
    %swap3A_19 = tpu.vector_load %arg11[%swap3A_18] {strides = array<i32>} : memref<80xi32, #tpu.memory_space<vmem>>, vector<16xi32>,
    tpu.vector_store %arg11[%swap3A_18], %add3A_17 {strides = array<i32>} : memref<80xi32, #tpu.memory_space<vmem>>, vector<16xi32>,
    %add3A_20 = arith.constant 32 : i32
    %add3A_21 = vector.broadcast %add3A_20 : i32 to vector<16xi32>
    %add3A_22 = arith.addi %iota3A, %add3A_21 : vector<16xi32>
    %swap3A_23 = arith.constant 32 : index
    %swap3A_24 = tpu.vector_load %arg11[%swap3A_23] {strides = array<i32>} : memref<80xi32, #tpu.memory_space<vmem>>, vector<16xi32>,
    tpu.vector_store %arg11[%swap3A_23], %add3A_22 {strides = array<i32>} : memref<80xi32, #tpu.memory_space<vmem>>, vector<16xi32>,
    %add3A_25 = arith.constant 48 : i32
    %add3A_26 = vector.broadcast %add3A_25 : i32 to vector<16xi32>
    %add3A_27 = arith.addi %iota3A, %add3A_26 : vector<16xi32>
    %swap3A_28 = arith.constant 48 : index
    %swap3A_29 = tpu.vector_load %arg11[%swap3A_28] {strides = array<i32>} : memref<80xi32, #tpu.memory_space<vmem>>, vector<16xi32>,
    tpu.vector_store %arg11[%swap3A_28], %add3A_27 {strides = array<i32>} : memref<80xi32, #tpu.memory_space<vmem>>, vector<16xi32>,
    %add3A_30 = arith.constant 64 : i32
    %add3A_31 = vector.broadcast %add3A_30 : i32 to vector<16xi32>
    %add3A_32 = arith.addi %iota3A, %add3A_31 : vector<16xi32>
    %swap3A_33 = arith.constant 64 : index
    %swap3A_34 = tpu.vector_load %arg11[%swap3A_33] {strides = array<i32>} : memref<80xi32, #tpu.memory_space<vmem>>, vector<16xi32>,
    tpu.vector_store %arg11[%swap3A_33], %add3A_32 {strides = array<i32>} : memref<80xi32, #tpu.memory_space<vmem>>, vector<16xi32>,
    %parallel_loop3A = arith.constant 0 : i32
    %parallel_loop3A_35 = arith.constant 625 : i32
    %parallel_loop3A_36 = arith.constant 1 : i32
    scf.for %parallel_loop3A_43 = %parallel_loop3A to %parallel_loop3A_35 step %parallel_loop3A_36  : i32 {
      %parallel_loop3A_44 = arith.constant 16 : i32
      %parallel_loop3A_45 = arith.muli %parallel_loop3A_43, %parallel_loop3A_44 : i32
      %parallel_loop3A_46 = arith.addi %rem3A_3, %parallel_loop3A_45 : i32
      %parallel_loop3A_47 = arith.constant 0 : i32
      %parallel_loop3A_48 = arith.index_cast %parallel_loop3A_47 : i32 to index
      %parallel_loop3A_49 = arith.index_cast %parallel_loop3A_46 : i32 to index
      %parallel_loop3A_50 = tpu.vector_load %arg8[%parallel_loop3A_48, %parallel_loop3A_49] {strides = array<i32>} : memref<2x10112xi32, #tpu.memory_space<vmem>>, vector<16xi32>,
      %parallel_loop3A_51 = arith.constant 1 : i32
      %parallel_loop3A_52 = arith.index_cast %parallel_loop3A_51 : i32 to index
      %parallel_loop3A_53 = arith.index_cast %parallel_loop3A_46 : i32 to index
      %parallel_loop3A_54 = tpu.vector_load %arg8[%parallel_loop3A_52, %parallel_loop3A_53] {strides = array<i32>} : memref<2x10112xi32, #tpu.memory_space<vmem>>, vector<16xi32>,
      %parallel_loop3A_55 = arith.constant 7 : i32
      %parallel_loop3A_56 = vector.broadcast %parallel_loop3A_55 : i32 to vector<16xi32>
      %parallel_loop3A_57 = arith.shrui %parallel_loop3A_54, %parallel_loop3A_56 : vector<16xi32>
      %parallel_loop3A_58 = arith.constant 127 : i32
      %parallel_loop3A_59 = vector.broadcast %parallel_loop3A_58 : i32 to vector<16xi32>
      %parallel_loop3A_60 = arith.andi %parallel_loop3A_54, %parallel_loop3A_59 : vector<16xi32>
      %parallel_loop3A_61 = tpu.vector_load_idx %arg7[%parallel_loop3A_50] : memref<10000xf32, #tpu.memory_space<vmem>>[vector<16xi32>], vector<16xf32>,
      tpu.vector_store_idx %arg9[%parallel_loop3A_57, %parallel_loop3A_60], %parallel_loop3A_61 {add = true} : memref<80x128xf32, #tpu.memory_space<vmem>>[vector<16xi32>, vector<16xi32>], vector<16xf32>,
      tpu.vector_store_idx %arg10[%parallel_loop3A_57, %parallel_loop3A_60], %broadcast_in_dim3A_6 {add = true} : memref<80x128xf32, #tpu.memory_space<vmem>>[vector<16xi32>, vector<16xi32>], vector<16xf32>,
    } {sc.loop_unroll_factor = 8 : i64, sc.parallel_access}
    %barrier3A = arith.constant 0 : index
    tpu.barrier barrier_id(%barrier3A)
    "tpu.region"() ({
      %run_scoped3A = tpu.sem_alloc : memref<!tpu.dma_semaphore, #tpu.memory_space<semaphore_mem>>
      %dma_start3A = arith.constant 0 : i32
      %dma_start3A_43 = arith.constant 0 : i32
      %dma_start3A_44 = tpu.memref_slice %arg12[%dma_start3A, %dma_start3A_43] : memref<80x128xf32, #tpu.memory_space<vmem_shared>> -> memref<80x128xf32, #tpu.memory_space<vmem_shared>>
      tpu.enqueue_indirect_dma source(%arg9 : memref<80x128xf32, #tpu.memory_space<vmem>>) target(%dma_start3A_44 : memref<80x128xf32, #tpu.memory_space<vmem_shared>>) offsets(%arg11 : memref<80xi32, #tpu.memory_space<vmem>>) semaphore(%run_scoped3A : memref<!tpu.dma_semaphore, #tpu.memory_space<semaphore_mem>>) {add = true}
      %dma_wait3A = arith.constant 0 : i32
      %dma_wait3A_45 = arith.constant 0 : i32
      %dma_wait3A_46 = tpu.memref_slice %arg12[%dma_wait3A, %dma_wait3A_45] : memref<80x128xf32, #tpu.memory_space<vmem_shared>> -> memref<80x128xf32, #tpu.memory_space<vmem_shared>>
      tpu.wait_indirect_dma semaphore(%run_scoped3A : memref<!tpu.dma_semaphore, #tpu.memory_space<semaphore_mem>>) src(%arg9 : memref<80x128xf32, #tpu.memory_space<vmem>>) dst(%dma_wait3A_46 : memref<80x128xf32, #tpu.memory_space<vmem_shared>>)
      tpu.yield
    }) : () -> ()
    "tpu.region"() ({
      %run_scoped3A = tpu.sem_alloc : memref<!tpu.dma_semaphore, #tpu.memory_space<semaphore_mem>>
      %dma_start3A = arith.constant 0 : i32
      %dma_start3A_43 = arith.constant 0 : i32
      %dma_start3A_44 = tpu.memref_slice %arg13[%dma_start3A, %dma_start3A_43] : memref<80x128xf32, #tpu.memory_space<vmem_shared>> -> memref<80x128xf32, #tpu.memory_space<vmem_shared>>
      tpu.enqueue_indirect_dma source(%arg10 : memref<80x128xf32, #tpu.memory_space<vmem>>) target(%dma_start3A_44 : memref<80x128xf32, #tpu.memory_space<vmem_shared>>) offsets(%arg11 : memref<80xi32, #tpu.memory_space<vmem>>) semaphore(%run_scoped3A : memref<!tpu.dma_semaphore, #tpu.memory_space<semaphore_mem>>) {add = true}
      %dma_wait3A = arith.constant 0 : i32
      %dma_wait3A_45 = arith.constant 0 : i32
      %dma_wait3A_46 = tpu.memref_slice %arg13[%dma_wait3A, %dma_wait3A_45] : memref<80x128xf32, #tpu.memory_space<vmem_shared>> -> memref<80x128xf32, #tpu.memory_space<vmem_shared>>
      tpu.wait_indirect_dma semaphore(%run_scoped3A : memref<!tpu.dma_semaphore, #tpu.memory_space<semaphore_mem>>) src(%arg10 : memref<80x128xf32, #tpu.memory_space<vmem>>) dst(%dma_wait3A_46 : memref<80x128xf32, #tpu.memory_space<vmem_shared>>)
      tpu.yield
    }) : () -> ()
    %barrier3A_37 = arith.constant 0 : index
    tpu.barrier barrier_id(%barrier3A_37)
    %eq3A_38 = arith.constant 0 : i32
    %eq3A_39 = arith.cmpi eq, %arg1, %eq3A_38 : i32
    %convert_element_type3A_40 = arith.extui %eq3A_39 : i1 to i32
    %cond3A_41 = arith.constant 0 : i32
    %cond3A_42 = arith.cmpi ne, %convert_element_type3A_40, %cond3A_41 : i32
    scf.if %cond3A_42 {
      "tpu.region"() ({
        %run_scoped3A = tpu.sem_alloc : memref<!tpu.dma_semaphore, #tpu.memory_space<semaphore_mem>>
        %dma_start3A = arith.constant 0 : i32
        %dma_start3A_43 = arith.constant 0 : i32
        %dma_start3A_44 = tpu.memref_slice %arg5[%arg0, %dma_start3A, %dma_start3A_43] : memref<2x80x128xf32, #tpu.memory_space<hbm>> -> memref<1x80x128xf32, #tpu.memory_space<hbm>>
        %dma_start3A_45 = tpu.memref_squeeze %dma_start3A_44 : memref<1x80x128xf32, #tpu.memory_space<hbm>> -> memref<80x128xf32, #tpu.memory_space<hbm>>
        tpu.enqueue_dma source(%arg12 : memref<80x128xf32, #tpu.memory_space<vmem_shared>>) target(%dma_start3A_45 : memref<80x128xf32, #tpu.memory_space<hbm>>) target_semaphore(%run_scoped3A : memref<!tpu.dma_semaphore, #tpu.memory_space<semaphore_mem>>)
        %dma_wait3A = arith.constant 0 : i32
        %dma_wait3A_46 = arith.constant 0 : i32
        %dma_wait3A_47 = tpu.memref_slice %arg5[%arg0, %dma_wait3A, %dma_wait3A_46] : memref<2x80x128xf32, #tpu.memory_space<hbm>> -> memref<1x80x128xf32, #tpu.memory_space<hbm>>
        %dma_wait3A_48 = tpu.memref_squeeze %dma_wait3A_47 : memref<1x80x128xf32, #tpu.memory_space<hbm>> -> memref<80x128xf32, #tpu.memory_space<hbm>>
        tpu.wait_dma2 semaphore(%run_scoped3A : memref<!tpu.dma_semaphore, #tpu.memory_space<semaphore_mem>>) src(%arg12 : memref<80x128xf32, #tpu.memory_space<vmem_shared>>) dst(%dma_wait3A_48 : memref<80x128xf32, #tpu.memory_space<hbm>>)
        tpu.yield
      }) : () -> ()
      "tpu.region"() ({
        %run_scoped3A = tpu.sem_alloc : memref<!tpu.dma_semaphore, #tpu.memory_space<semaphore_mem>>
        %dma_start3A = arith.constant 0 : i32
        %dma_start3A_43 = arith.constant 0 : i32
        %dma_start3A_44 = tpu.memref_slice %arg6[%arg0, %dma_start3A, %dma_start3A_43] : memref<2x80x128xf32, #tpu.memory_space<hbm>> -> memref<1x80x128xf32, #tpu.memory_space<hbm>>
        %dma_start3A_45 = tpu.memref_squeeze %dma_start3A_44 : memref<1x80x128xf32, #tpu.memory_space<hbm>> -> memref<80x128xf32, #tpu.memory_space<hbm>>
        tpu.enqueue_dma source(%arg13 : memref<80x128xf32, #tpu.memory_space<vmem_shared>>) target(%dma_start3A_45 : memref<80x128xf32, #tpu.memory_space<hbm>>) target_semaphore(%run_scoped3A : memref<!tpu.dma_semaphore, #tpu.memory_space<semaphore_mem>>)
        %dma_wait3A = arith.constant 0 : i32
        %dma_wait3A_46 = arith.constant 0 : i32
        %dma_wait3A_47 = tpu.memref_slice %arg6[%arg0, %dma_wait3A, %dma_wait3A_46] : memref<2x80x128xf32, #tpu.memory_space<hbm>> -> memref<1x80x128xf32, #tpu.memory_space<hbm>>
        %dma_wait3A_48 = tpu.memref_squeeze %dma_wait3A_47 : memref<1x80x128xf32, #tpu.memory_space<hbm>> -> memref<80x128xf32, #tpu.memory_space<hbm>>
        tpu.wait_dma2 semaphore(%run_scoped3A : memref<!tpu.dma_semaphore, #tpu.memory_space<semaphore_mem>>) src(%arg13 : memref<80x128xf32, #tpu.memory_space<vmem_shared>>) dst(%dma_wait3A_48 : memref<80x128xf32, #tpu.memory_space<hbm>>)
        tpu.yield
      }) : () -> ()
    } else {
    }
    return
  }
}

module attributes {stable_mosaic.version = 14 : i64} {
  func.func @_tc_body(%arg0: i32, %arg1: memref<16x128xf32, #tpu.memory_space<vmem>>, %arg2: memref<2x16x128xf32, #tpu.memory_space<vmem>>, %arg3: memref<2x16x128xf32, #tpu.memory_space<vmem>>, %arg4: memref<129x128xf32, #tpu.memory_space<vmem>>, %arg5: memref<1x128xf32, #tpu.memory_space<vmem>>, %arg6: memref<128x128xf32, #tpu.memory_space<vmem>>, %arg7: memref<128x128xf32, #tpu.memory_space<vmem>>, %arg8: memref<1x128xf32, #tpu.memory_space<vmem>>, %arg9: memref<256x1xf32, #tpu.memory_space<vmem>>, %arg10: memref<1x1xf32, #tpu.memory_space<vmem>>, %arg11: memref<256x1xf32, #tpu.memory_space<vmem>>, %arg12: memref<1x1xf32, #tpu.memory_space<vmem>>, %arg13: memref<2048x1xf32, #tpu.memory_space<vmem>>, %arg14: memref<2048x128xf32, #tpu.memory_space<vmem>>, %arg15: memref<1x1xf32, #tpu.memory_space<vmem>>, %arg16: memref<1x128xf32, #tpu.memory_space<vmem>>, %arg17: memref<1x128xf32, #tpu.memory_space<vmem>>) attributes {dimension_semantics = [#tpu.dimension_semantics<arbitrary>], iteration_bounds = array<i64: 5>, scalar_prefetch = 0 : i64, scratch_operands = 2 : i64, tpu.core_type = #tpu.core_type<tc>, window_params = [{transform_indices = @transform_0, window_bounds = array<i64: 16, 128>}, {transform_indices = @transform_1, window_bounds = array<i64: 2, 16, 128>}, {transform_indices = @transform_2, window_bounds = array<i64: 2, 16, 128>}, {pipeline_mode = #tpu.pipeline_mode<synchronous>, transform_indices = @transform_3, window_bounds = array<i64: 129, 128>}, {pipeline_mode = #tpu.pipeline_mode<synchronous>, transform_indices = @transform_4, window_bounds = array<i64: 1, 128>}, {pipeline_mode = #tpu.pipeline_mode<synchronous>, transform_indices = @transform_5, window_bounds = array<i64: 128, 128>}, {pipeline_mode = #tpu.pipeline_mode<synchronous>, transform_indices = @transform_6, window_bounds = array<i64: 128, 128>}, {pipeline_mode = #tpu.pipeline_mode<synchronous>, transform_indices = @transform_7, window_bounds = array<i64: 1, 128>}, {pipeline_mode = #tpu.pipeline_mode<synchronous>, transform_indices = @transform_8, window_bounds = array<i64: 256, 1>}, {pipeline_mode = #tpu.pipeline_mode<synchronous>, transform_indices = @transform_9, window_bounds = array<i64: 1, 1>}, {pipeline_mode = #tpu.pipeline_mode<synchronous>, transform_indices = @transform_10, window_bounds = array<i64: 256, 1>}, {pipeline_mode = #tpu.pipeline_mode<synchronous>, transform_indices = @transform_11, window_bounds = array<i64: 1, 1>}, {transform_indices = @transform_12, window_bounds = array<i64: 2048, 1>}, {transform_indices = @transform_13, window_bounds = array<i64: 2048, 128>}, {pipeline_mode = #tpu.pipeline_mode<synchronous>, transform_indices = @transform_14, window_bounds = array<i64: 1, 1>}]} {
    %get3A = arith.constant 0 : index
    %get3A_0 = arith.constant 0 : index
    %get3A_1 = vector.load %arg4[%get3A, %get3A_0] : memref<129x128xf32, #tpu.memory_space<vmem>>, vector<1x128xf32>
    %get3A_2 = arith.constant 0 : index
    %get3A_3 = arith.constant 0 : index
    %get3A_4 = vector.load %arg5[%get3A_2, %get3A_3] : memref<1x128xf32, #tpu.memory_space<vmem>>, vector<1x128xf32>
    %get3A_5 = arith.constant 0 : index
    %get3A_6 = arith.constant 0 : index
    %get3A_7 = vector.load %arg6[%get3A_5, %get3A_6] : memref<128x128xf32, #tpu.memory_space<vmem>>, vector<128x128xf32>
    %dot_general3A = arith.constant dense<0.000000e+00> : vector<1x128xf32>
    %dot_general3A_8 = tpu.matmul %get3A_1, %get3A_7, %dot_general3A {dimension_numbers = #tpu.dot_dimension_numbers<[1], [0], [0], [1], [0, 0, 1, 1], [], []>, transpose_lhs_hint = false} : vector<1x128xf32>, vector<128x128xf32>, vector<1x128xf32> -> vector<1x128xf32>
    %get3A_9 = arith.constant 0 : index
    %get3A_10 = arith.constant 0 : index
    %get3A_11 = vector.load %arg7[%get3A_9, %get3A_10] : memref<128x128xf32, #tpu.memory_space<vmem>>, vector<128x128xf32>
    %dot_general3A_12 = arith.constant dense<0.000000e+00> : vector<1x128xf32>
    %dot_general3A_13 = tpu.matmul %get3A_1, %get3A_11, %dot_general3A_12 {dimension_numbers = #tpu.dot_dimension_numbers<[1], [0], [0], [1], [0, 0, 1, 1], [], []>, transpose_lhs_hint = false} : vector<1x128xf32>, vector<128x128xf32>, vector<1x128xf32> -> vector<1x128xf32>
    %get3A_14 = arith.constant 0 : index
    %get3A_15 = arith.constant 0 : index
    %get3A_16 = vector.load %arg6[%get3A_14, %get3A_15] : memref<128x128xf32, #tpu.memory_space<vmem>>, vector<128x128xf32>
    %dot_general3A_17 = arith.constant dense<0.000000e+00> : vector<1x128xf32>
    %dot_general3A_18 = tpu.matmul %get3A_4, %get3A_16, %dot_general3A_17 {dimension_numbers = #tpu.dot_dimension_numbers<[1], [0], [0], [1], [0, 0, 1, 1], [], []>, transpose_lhs_hint = false} : vector<1x128xf32>, vector<128x128xf32>, vector<1x128xf32> -> vector<1x128xf32>
    %get3A_19 = arith.constant 0 : index
    %get3A_20 = arith.constant 0 : index
    %get3A_21 = vector.load %arg8[%get3A_19, %get3A_20] : memref<1x128xf32, #tpu.memory_space<vmem>>, vector<1x128xf32>
    %add3A = arith.addf %dot_general3A_18, %get3A_21 : vector<1x128xf32>
    %get3A_22 = arith.constant 0 : index
    %get3A_23 = arith.constant 0 : index
    %get3A_24 = vector.load %arg7[%get3A_22, %get3A_23] : memref<128x128xf32, #tpu.memory_space<vmem>>, vector<128x128xf32>
    %dot_general3A_25 = arith.constant dense<0.000000e+00> : vector<1x128xf32>
    %dot_general3A_26 = tpu.matmul %get3A_4, %get3A_24, %dot_general3A_25 {dimension_numbers = #tpu.dot_dimension_numbers<[1], [0], [0], [1], [0, 0, 1, 1], [], []>, transpose_lhs_hint = false} : vector<1x128xf32>, vector<128x128xf32>, vector<1x128xf32> -> vector<1x128xf32>
    %get3A_27 = arith.constant 0 : index
    %get3A_28 = arith.constant 0 : index
    %get3A_29 = vector.load %arg9[%get3A_27, %get3A_28] : memref<256x1xf32, #tpu.memory_space<vmem>>, vector<256x1xf32>
    %slice3A = vector.extract_strided_slice %get3A_29 {offsets = [0, 0], sizes = [128, 1], strides = [1, 1]} : vector<256x1xf32> to vector<128x1xf32>
    %slice3A_30 = vector.extract_strided_slice %get3A_29 {offsets = [128, 0], sizes = [128, 1], strides = [1, 1]} : vector<256x1xf32> to vector<128x1xf32>
    %dot_general3A_31 = arith.constant dense<0.000000e+00> : vector<1x1xf32>
    %dot_general3A_32 = tpu.matmul %get3A_1, %slice3A_30, %dot_general3A_31 {dimension_numbers = #tpu.dot_dimension_numbers<[1], [0], [0], [1], [0, 0, 1, 1], [], []>, transpose_lhs_hint = false} : vector<1x128xf32>, vector<128x1xf32>, vector<1x1xf32> -> vector<1x1xf32>
    %squeeze3A = vector.extract %dot_general3A_32[0, 0] : f32 from vector<1x1xf32>
    %slice3A_33 = vector.extract_strided_slice %get3A_29 {offsets = [128, 0], sizes = [128, 1], strides = [1, 1]} : vector<256x1xf32> to vector<128x1xf32>
    %dot_general3A_34 = arith.constant dense<0.000000e+00> : vector<1x1xf32>
    %dot_general3A_35 = tpu.matmul %get3A_4, %slice3A_33, %dot_general3A_34 {dimension_numbers = #tpu.dot_dimension_numbers<[1], [0], [0], [1], [0, 0, 1, 1], [], []>, transpose_lhs_hint = false} : vector<1x128xf32>, vector<128x1xf32>, vector<1x1xf32> -> vector<1x1xf32>
    %squeeze3A_36 = vector.extract %dot_general3A_35[0, 0] : f32 from vector<1x1xf32>
    %get3A_37 = arith.constant 0 : index
    %get3A_38 = arith.constant 0 : index
    %get3A_39 = vector.load %arg10[%get3A_37, %get3A_38] : memref<1x1xf32, #tpu.memory_space<vmem>>, vector<1x1xf32>
    %get3A_40 = vector.extract %get3A_39[0, 0] : f32 from vector<1x1xf32>
    %add3A_41 = arith.addf %squeeze3A_36, %get3A_40 : f32
    %get3A_42 = arith.constant 0 : index
    %get3A_43 = arith.constant 0 : index
    %get3A_44 = arith.constant 0 : index
    %get3A_45 = vector.load %arg2[%get3A_42, %get3A_43, %get3A_44] : memref<2x16x128xf32, #tpu.memory_space<vmem>>, vector<1x16x128xf32>
    %get3A_46 = vector.shape_cast %get3A_45 : vector<1x16x128xf32> to vector<16x128xf32>
    %get3A_47 = arith.constant 1 : index
    %get3A_48 = arith.constant 0 : index
    %get3A_49 = arith.constant 0 : index
    %get3A_50 = vector.load %arg2[%get3A_47, %get3A_48, %get3A_49] : memref<2x16x128xf32, #tpu.memory_space<vmem>>, vector<1x16x128xf32>
    %get3A_51 = vector.shape_cast %get3A_50 : vector<1x16x128xf32> to vector<16x128xf32>
    %add3A_52 = arith.addf %get3A_46, %get3A_51 : vector<16x128xf32>
    %get3A_53 = arith.constant 0 : index
    %get3A_54 = arith.constant 0 : index
    %get3A_55 = arith.constant 0 : index
    %get3A_56 = vector.load %arg3[%get3A_53, %get3A_54, %get3A_55] : memref<2x16x128xf32, #tpu.memory_space<vmem>>, vector<1x16x128xf32>
    %get3A_57 = vector.shape_cast %get3A_56 : vector<1x16x128xf32> to vector<16x128xf32>
    %get3A_58 = arith.constant 1 : index
    %get3A_59 = arith.constant 0 : index
    %get3A_60 = arith.constant 0 : index
    %get3A_61 = vector.load %arg3[%get3A_58, %get3A_59, %get3A_60] : memref<2x16x128xf32, #tpu.memory_space<vmem>>, vector<1x16x128xf32>
    %get3A_62 = vector.shape_cast %get3A_61 : vector<1x16x128xf32> to vector<16x128xf32>
    %add3A_63 = arith.addf %get3A_57, %get3A_62 : vector<16x128xf32>
    %max3A = arith.constant 1.000000e+00 : f32
    %max3A_64 = vector.broadcast %max3A : f32 to vector<16x128xf32>
    %max3A_65 = arith.maximumf %add3A_63, %max3A_64 : vector<16x128xf32>
    %div3A = arith.divf %add3A_52, %max3A_65 : vector<16x128xf32>
    %gt3A = arith.constant 0.000000e+00 : f32
    %gt3A_66 = vector.broadcast %gt3A : f32 to vector<16x128xf32>
    %gt3A_67 = arith.cmpf ogt, %add3A_63, %gt3A_66 : vector<16x128xf32>
    %convert_element_type3A = arith.extui %gt3A_67 : vector<16x128xi1> to vector<16x128xi32>
    %convert_element_type3A_68 = arith.sitofp %convert_element_type3A : vector<16x128xi32> to vector<16x128xf32>
    %transpose3A = tpu.transpose %div3A, [1, 0] : vector<16x128xf32> -> vector<128x16xf32>
    %transpose3A_69 = tpu.transpose %convert_element_type3A_68, [1, 0] : vector<16x128xf32> -> vector<128x16xf32>
    %get3A_70 = arith.constant 0 : index
    %get3A_71 = arith.constant 0 : index
    %get3A_72 = vector.load %arg1[%get3A_70, %get3A_71] : memref<16x128xf32, #tpu.memory_space<vmem>>, vector<16x128xf32>
    %transpose3A_73 = tpu.transpose %get3A_72, [1, 0] : vector<16x128xf32> -> vector<128x16xf32>
    %mul3A = arith.constant 2048 : i32
    %mul3A_74 = arith.muli %arg0, %mul3A : i32
    %iota3A = tpu.iota {dimensions = array<i32: 0>} : vector<128x1xi32>
    %slice3A_75 = vector.extract_strided_slice %transpose3A {offsets = [0, 0], sizes = [128, 1], strides = [1, 1]} : vector<128x16xf32> to vector<128x1xf32>
    %slice3A_76 = vector.extract_strided_slice %transpose3A_69 {offsets = [0, 0], sizes = [128, 1], strides = [1, 1]} : vector<128x16xf32> to vector<128x1xf32>
    %slice3A_77 = vector.extract_strided_slice %transpose3A_73 {offsets = [0, 0], sizes = [128, 1], strides = [1, 1]} : vector<128x16xf32> to vector<128x1xf32>
    %mul3A_78 = vector.broadcast %slice3A_77 : vector<128x1xf32> to vector<128x128xf32>
    %mul3A_79 = vector.broadcast %dot_general3A_8 : vector<1x128xf32> to vector<128x128xf32>
    %mul3A_80 = arith.mulf %mul3A_78, %mul3A_79 : vector<128x128xf32>
    %mul3A_81 = vector.broadcast %slice3A_75 : vector<128x1xf32> to vector<128x128xf32>
    %mul3A_82 = vector.broadcast %dot_general3A_13 : vector<1x128xf32> to vector<128x128xf32>
    %mul3A_83 = arith.mulf %mul3A_81, %mul3A_82 : vector<128x128xf32>
    %add3A_84 = arith.addf %mul3A_80, %mul3A_83 : vector<128x128xf32>
    %mul3A_85 = vector.broadcast %slice3A_76 : vector<128x1xf32> to vector<128x128xf32>
    %mul3A_86 = vector.broadcast %dot_general3A_26 : vector<1x128xf32> to vector<128x128xf32>
    %mul3A_87 = arith.mulf %mul3A_85, %mul3A_86 : vector<128x128xf32>
    %add3A_88 = arith.addf %add3A_84, %mul3A_87 : vector<128x128xf32>
    %add3A_89 = vector.broadcast %add3A : vector<1x128xf32> to vector<128x128xf32>
    %add3A_90 = arith.addf %add3A_88, %add3A_89 : vector<128x128xf32>
    %max3A_91 = arith.constant 0.000000e+00 : f32
    %max3A_92 = vector.broadcast %max3A_91 : f32 to vector<128x128xf32>
    %max3A_93 = arith.maximumf %add3A_90, %max3A_92 : vector<128x128xf32>
    %swap3A = arith.constant 0 : index
    %swap3A_94 = arith.constant 0 : index
    %swap3A_95 = vector.load %arg14[%swap3A, %swap3A_94] : memref<2048x128xf32, #tpu.memory_space<vmem>>, vector<128x128xf32>
    tpu.vector_store %arg14[%swap3A, %swap3A_94], %max3A_93 {strides = array<i32>} : memref<2048x128xf32, #tpu.memory_space<vmem>>, vector<128x128xf32>,
    %dot_general3A_96 = arith.constant dense<0.000000e+00> : vector<128x1xf32>
    %dot_general3A_97 = tpu.matmul %max3A_93, %slice3A, %dot_general3A_96 {dimension_numbers = #tpu.dot_dimension_numbers<[1], [0], [0], [1], [0, 0, 1, 1], [], []>, transpose_lhs_hint = false} : vector<128x128xf32>, vector<128x1xf32>, vector<128x1xf32> -> vector<128x1xf32>
    %mul3A_98 = vector.broadcast %squeeze3A : f32 to vector<128x1xf32>
    %mul3A_99 = arith.mulf %slice3A_77, %mul3A_98 : vector<128x1xf32>
    %add3A_100 = arith.addf %dot_general3A_97, %mul3A_99 : vector<128x1xf32>
    %add3A_101 = vector.broadcast %add3A_41 : f32 to vector<128x1xf32>
    %add3A_102 = arith.addf %add3A_100, %add3A_101 : vector<128x1xf32>
    %logistic3A = arith.negf %add3A_102 : vector<128x1xf32>
    %logistic3A_103 = math.exp %logistic3A : vector<128x1xf32>
    %logistic3A_104 = arith.constant 1.000000e+00 : f32
    %logistic3A_105 = vector.broadcast %logistic3A_104 : f32 to vector<128x1xf32>
    %logistic3A_106 = arith.addf %logistic3A_105, %logistic3A_103 : vector<128x1xf32>
    %logistic3A_107 = arith.divf %logistic3A_105, %logistic3A_106 : vector<128x1xf32>
    %swap3A_108 = arith.constant 0 : index
    %swap3A_109 = arith.constant 0 : index
    %swap3A_110 = vector.load %arg13[%swap3A_108, %swap3A_109] : memref<2048x1xf32, #tpu.memory_space<vmem>>, vector<128x1xf32>
    tpu.vector_store %arg13[%swap3A_108, %swap3A_109], %logistic3A_107 {strides = array<i32>} : memref<2048x1xf32, #tpu.memory_space<vmem>>, vector<128x1xf32>,
    %add3A_111 = arith.constant 0 : i32
    %add3A_112 = arith.addi %mul3A_74, %add3A_111 : i32
    %add3A_113 = vector.broadcast %add3A_112 : i32 to vector<128x1xi32>
    %add3A_114 = arith.addi %iota3A, %add3A_113 : vector<128x1xi32>
    %lt3A = arith.constant 10000 : i32
    %lt3A_115 = vector.broadcast %lt3A : i32 to vector<128x1xi32>
    %lt3A_116 = arith.cmpi slt, %add3A_114, %lt3A_115 : vector<128x1xi32>
    %jit3A = arith.constant 0.000000e+00 : f32
    %broadcast_in_dim3A = vector.shape_cast %lt3A_116 : vector<128x1xi1> to vector<128x1xi1>
    %broadcast_in_dim3A_117 = vector.broadcast %broadcast_in_dim3A : vector<128x1xi1> to vector<128x128xi1>
    %broadcast_in_dim3A_118 = vector.broadcast %jit3A : f32 to vector<128x128xf32>
    %select_n3A = arith.select %broadcast_in_dim3A_117, %max3A_93, %broadcast_in_dim3A_118 : vector<128x128xi1>, vector<128x128xf32>
    %reduce_max3A = arith.constant dense<0xFF800000> : vector<128xf32>
    %reduce_max3A_119 = vector.multi_reduction <maximumf>, %select_n3A, %reduce_max3A [0] : vector<128x128xf32> to vector<128xf32>
    %broadcast_in_dim3A_120 = vector.shape_cast %reduce_max3A_119 : vector<128xf32> to vector<1x128xf32>
    %reduce_sum3A = arith.constant dense<0.000000e+00> : vector<128xf32>
    %reduce_sum3A_121 = vector.multi_reduction <add>, %select_n3A, %reduce_sum3A [0] : vector<128x128xf32> to vector<128xf32>
    %broadcast_in_dim3A_122 = vector.shape_cast %reduce_sum3A_121 : vector<128xf32> to vector<1x128xf32>
    %slice3A_123 = vector.extract_strided_slice %transpose3A {offsets = [0, 1], sizes = [128, 1], strides = [1, 1]} : vector<128x16xf32> to vector<128x1xf32>
    %slice3A_124 = vector.extract_strided_slice %transpose3A_69 {offsets = [0, 1], sizes = [128, 1], strides = [1, 1]} : vector<128x16xf32> to vector<128x1xf32>
    %slice3A_125 = vector.extract_strided_slice %transpose3A_73 {offsets = [0, 1], sizes = [128, 1], strides = [1, 1]} : vector<128x16xf32> to vector<128x1xf32>
    %mul3A_126 = vector.broadcast %slice3A_125 : vector<128x1xf32> to vector<128x128xf32>
    %mul3A_127 = vector.broadcast %dot_general3A_8 : vector<1x128xf32> to vector<128x128xf32>
    %mul3A_128 = arith.mulf %mul3A_126, %mul3A_127 : vector<128x128xf32>
    %mul3A_129 = vector.broadcast %slice3A_123 : vector<128x1xf32> to vector<128x128xf32>
    %mul3A_130 = vector.broadcast %dot_general3A_13 : vector<1x128xf32> to vector<128x128xf32>
    %mul3A_131 = arith.mulf %mul3A_129, %mul3A_130 : vector<128x128xf32>
    %add3A_132 = arith.addf %mul3A_128, %mul3A_131 : vector<128x128xf32>
    %mul3A_133 = vector.broadcast %slice3A_124 : vector<128x1xf32> to vector<128x128xf32>
    %mul3A_134 = vector.broadcast %dot_general3A_26 : vector<1x128xf32> to vector<128x128xf32>
    %mul3A_135 = arith.mulf %mul3A_133, %mul3A_134 : vector<128x128xf32>
    %add3A_136 = arith.addf %add3A_132, %mul3A_135 : vector<128x128xf32>
    %add3A_137 = vector.broadcast %add3A : vector<1x128xf32> to vector<128x128xf32>
    %add3A_138 = arith.addf %add3A_136, %add3A_137 : vector<128x128xf32>
    %max3A_139 = arith.constant 0.000000e+00 : f32
    %max3A_140 = vector.broadcast %max3A_139 : f32 to vector<128x128xf32>
    %max3A_141 = arith.maximumf %add3A_138, %max3A_140 : vector<128x128xf32>
    %swap3A_142 = arith.constant 128 : index
    %swap3A_143 = arith.constant 0 : index
    %swap3A_144 = vector.load %arg14[%swap3A_142, %swap3A_143] : memref<2048x128xf32, #tpu.memory_space<vmem>>, vector<128x128xf32>
    tpu.vector_store %arg14[%swap3A_142, %swap3A_143], %max3A_141 {strides = array<i32>} : memref<2048x128xf32, #tpu.memory_space<vmem>>, vector<128x128xf32>,
    %dot_general3A_145 = arith.constant dense<0.000000e+00> : vector<128x1xf32>
    %dot_general3A_146 = tpu.matmul %max3A_141, %slice3A, %dot_general3A_145 {dimension_numbers = #tpu.dot_dimension_numbers<[1], [0], [0], [1], [0, 0, 1, 1], [], []>, transpose_lhs_hint = false} : vector<128x128xf32>, vector<128x1xf32>, vector<128x1xf32> -> vector<128x1xf32>
    %mul3A_147 = vector.broadcast %squeeze3A : f32 to vector<128x1xf32>
    %mul3A_148 = arith.mulf %slice3A_125, %mul3A_147 : vector<128x1xf32>
    %add3A_149 = arith.addf %dot_general3A_146, %mul3A_148 : vector<128x1xf32>
    %add3A_150 = vector.broadcast %add3A_41 : f32 to vector<128x1xf32>
    %add3A_151 = arith.addf %add3A_149, %add3A_150 : vector<128x1xf32>
    %logistic3A_152 = arith.negf %add3A_151 : vector<128x1xf32>
    %logistic3A_153 = math.exp %logistic3A_152 : vector<128x1xf32>
    %logistic3A_154 = arith.constant 1.000000e+00 : f32
    %logistic3A_155 = vector.broadcast %logistic3A_154 : f32 to vector<128x1xf32>
    %logistic3A_156 = arith.addf %logistic3A_155, %logistic3A_153 : vector<128x1xf32>
    %logistic3A_157 = arith.divf %logistic3A_155, %logistic3A_156 : vector<128x1xf32>
    %swap3A_158 = arith.constant 128 : index
    %swap3A_159 = arith.constant 0 : index
    %swap3A_160 = vector.load %arg13[%swap3A_158, %swap3A_159] : memref<2048x1xf32, #tpu.memory_space<vmem>>, vector<128x1xf32>
    tpu.vector_store %arg13[%swap3A_158, %swap3A_159], %logistic3A_157 {strides = array<i32>} : memref<2048x1xf32, #tpu.memory_space<vmem>>, vector<128x1xf32>,
    %add3A_161 = arith.constant 128 : i32
    %add3A_162 = arith.addi %mul3A_74, %add3A_161 : i32
    %add3A_163 = vector.broadcast %add3A_162 : i32 to vector<128x1xi32>
    %add3A_164 = arith.addi %iota3A, %add3A_163 : vector<128x1xi32>
    %lt3A_165 = arith.constant 10000 : i32
    %lt3A_166 = vector.broadcast %lt3A_165 : i32 to vector<128x1xi32>
    %lt3A_167 = arith.cmpi slt, %add3A_164, %lt3A_166 : vector<128x1xi32>
    %jit3A_168 = arith.constant 0.000000e+00 : f32
    %broadcast_in_dim3A_169 = vector.shape_cast %lt3A_167 : vector<128x1xi1> to vector<128x1xi1>
    %broadcast_in_dim3A_170 = vector.broadcast %broadcast_in_dim3A_169 : vector<128x1xi1> to vector<128x128xi1>
    %broadcast_in_dim3A_171 = vector.broadcast %jit3A_168 : f32 to vector<128x128xf32>
    %select_n3A_172 = arith.select %broadcast_in_dim3A_170, %max3A_141, %broadcast_in_dim3A_171 : vector<128x128xi1>, vector<128x128xf32>
    %reduce_max3A_173 = arith.constant dense<0xFF800000> : vector<128xf32>
    %reduce_max3A_174 = vector.multi_reduction <maximumf>, %select_n3A_172, %reduce_max3A_173 [0] : vector<128x128xf32> to vector<128xf32>
    %broadcast_in_dim3A_175 = vector.shape_cast %reduce_max3A_174 : vector<128xf32> to vector<1x128xf32>
    %reduce_sum3A_176 = arith.constant dense<0.000000e+00> : vector<128xf32>
    %reduce_sum3A_177 = vector.multi_reduction <add>, %select_n3A_172, %reduce_sum3A_176 [0] : vector<128x128xf32> to vector<128xf32>
    %broadcast_in_dim3A_178 = vector.shape_cast %reduce_sum3A_177 : vector<128xf32> to vector<1x128xf32>
    %max3A_179 = arith.maximumf %broadcast_in_dim3A_120, %broadcast_in_dim3A_175 : vector<1x128xf32>
    %add3A_180 = arith.addf %broadcast_in_dim3A_122, %broadcast_in_dim3A_178 : vector<1x128xf32>
    %slice3A_181 = vector.extract_strided_slice %transpose3A {offsets = [0, 2], sizes = [128, 1], strides = [1, 1]} : vector<128x16xf32> to vector<128x1xf32>
    %slice3A_182 = vector.extract_strided_slice %transpose3A_69 {offsets = [0, 2], sizes = [128, 1], strides = [1, 1]} : vector<128x16xf32> to vector<128x1xf32>
    %slice3A_183 = vector.extract_strided_slice %transpose3A_73 {offsets = [0, 2], sizes = [128, 1], strides = [1, 1]} : vector<128x16xf32> to vector<128x1xf32>
    %mul3A_184 = vector.broadcast %slice3A_183 : vector<128x1xf32> to vector<128x128xf32>
    %mul3A_185 = vector.broadcast %dot_general3A_8 : vector<1x128xf32> to vector<128x128xf32>
    %mul3A_186 = arith.mulf %mul3A_184, %mul3A_185 : vector<128x128xf32>
    %mul3A_187 = vector.broadcast %slice3A_181 : vector<128x1xf32> to vector<128x128xf32>
    %mul3A_188 = vector.broadcast %dot_general3A_13 : vector<1x128xf32> to vector<128x128xf32>
    %mul3A_189 = arith.mulf %mul3A_187, %mul3A_188 : vector<128x128xf32>
    %add3A_190 = arith.addf %mul3A_186, %mul3A_189 : vector<128x128xf32>
    %mul3A_191 = vector.broadcast %slice3A_182 : vector<128x1xf32> to vector<128x128xf32>
    %mul3A_192 = vector.broadcast %dot_general3A_26 : vector<1x128xf32> to vector<128x128xf32>
    %mul3A_193 = arith.mulf %mul3A_191, %mul3A_192 : vector<128x128xf32>
    %add3A_194 = arith.addf %add3A_190, %mul3A_193 : vector<128x128xf32>
    %add3A_195 = vector.broadcast %add3A : vector<1x128xf32> to vector<128x128xf32>
    %add3A_196 = arith.addf %add3A_194, %add3A_195 : vector<128x128xf32>
    %max3A_197 = arith.constant 0.000000e+00 : f32
    %max3A_198 = vector.broadcast %max3A_197 : f32 to vector<128x128xf32>
    %max3A_199 = arith.maximumf %add3A_196, %max3A_198 : vector<128x128xf32>
    %swap3A_200 = arith.constant 256 : index
    %swap3A_201 = arith.constant 0 : index
    %swap3A_202 = vector.load %arg14[%swap3A_200, %swap3A_201] : memref<2048x128xf32, #tpu.memory_space<vmem>>, vector<128x128xf32>
    tpu.vector_store %arg14[%swap3A_200, %swap3A_201], %max3A_199 {strides = array<i32>} : memref<2048x128xf32, #tpu.memory_space<vmem>>, vector<128x128xf32>,
    %dot_general3A_203 = arith.constant dense<0.000000e+00> : vector<128x1xf32>
    %dot_general3A_204 = tpu.matmul %max3A_199, %slice3A, %dot_general3A_203 {dimension_numbers = #tpu.dot_dimension_numbers<[1], [0], [0], [1], [0, 0, 1, 1], [], []>, transpose_lhs_hint = false} : vector<128x128xf32>, vector<128x1xf32>, vector<128x1xf32> -> vector<128x1xf32>
    %mul3A_205 = vector.broadcast %squeeze3A : f32 to vector<128x1xf32>
    %mul3A_206 = arith.mulf %slice3A_183, %mul3A_205 : vector<128x1xf32>
    %add3A_207 = arith.addf %dot_general3A_204, %mul3A_206 : vector<128x1xf32>
    %add3A_208 = vector.broadcast %add3A_41 : f32 to vector<128x1xf32>
    %add3A_209 = arith.addf %add3A_207, %add3A_208 : vector<128x1xf32>
    %logistic3A_210 = arith.negf %add3A_209 : vector<128x1xf32>
    %logistic3A_211 = math.exp %logistic3A_210 : vector<128x1xf32>
    %logistic3A_212 = arith.constant 1.000000e+00 : f32
    %logistic3A_213 = vector.broadcast %logistic3A_212 : f32 to vector<128x1xf32>
    %logistic3A_214 = arith.addf %logistic3A_213, %logistic3A_211 : vector<128x1xf32>
    %logistic3A_215 = arith.divf %logistic3A_213, %logistic3A_214 : vector<128x1xf32>
    %swap3A_216 = arith.constant 256 : index
    %swap3A_217 = arith.constant 0 : index
    %swap3A_218 = vector.load %arg13[%swap3A_216, %swap3A_217] : memref<2048x1xf32, #tpu.memory_space<vmem>>, vector<128x1xf32>
    tpu.vector_store %arg13[%swap3A_216, %swap3A_217], %logistic3A_215 {strides = array<i32>} : memref<2048x1xf32, #tpu.memory_space<vmem>>, vector<128x1xf32>,
    %add3A_219 = arith.constant 256 : i32
    %add3A_220 = arith.addi %mul3A_74, %add3A_219 : i32
    %add3A_221 = vector.broadcast %add3A_220 : i32 to vector<128x1xi32>
    %add3A_222 = arith.addi %iota3A, %add3A_221 : vector<128x1xi32>
    %lt3A_223 = arith.constant 10000 : i32
    %lt3A_224 = vector.broadcast %lt3A_223 : i32 to vector<128x1xi32>
    %lt3A_225 = arith.cmpi slt, %add3A_222, %lt3A_224 : vector<128x1xi32>
    %jit3A_226 = arith.constant 0.000000e+00 : f32
    %broadcast_in_dim3A_227 = vector.shape_cast %lt3A_225 : vector<128x1xi1> to vector<128x1xi1>
    %broadcast_in_dim3A_228 = vector.broadcast %broadcast_in_dim3A_227 : vector<128x1xi1> to vector<128x128xi1>
    %broadcast_in_dim3A_229 = vector.broadcast %jit3A_226 : f32 to vector<128x128xf32>
    %select_n3A_230 = arith.select %broadcast_in_dim3A_228, %max3A_199, %broadcast_in_dim3A_229 : vector<128x128xi1>, vector<128x128xf32>
    %reduce_max3A_231 = arith.constant dense<0xFF800000> : vector<128xf32>
    %reduce_max3A_232 = vector.multi_reduction <maximumf>, %select_n3A_230, %reduce_max3A_231 [0] : vector<128x128xf32> to vector<128xf32>
    %broadcast_in_dim3A_233 = vector.shape_cast %reduce_max3A_232 : vector<128xf32> to vector<1x128xf32>
    %reduce_sum3A_234 = arith.constant dense<0.000000e+00> : vector<128xf32>
    %reduce_sum3A_235 = vector.multi_reduction <add>, %select_n3A_230, %reduce_sum3A_234 [0] : vector<128x128xf32> to vector<128xf32>
    %broadcast_in_dim3A_236 = vector.shape_cast %reduce_sum3A_235 : vector<128xf32> to vector<1x128xf32>
    %max3A_237 = arith.maximumf %max3A_179, %broadcast_in_dim3A_233 : vector<1x128xf32>
    %add3A_238 = arith.addf %add3A_180, %broadcast_in_dim3A_236 : vector<1x128xf32>
    %slice3A_239 = vector.extract_strided_slice %transpose3A {offsets = [0, 3], sizes = [128, 1], strides = [1, 1]} : vector<128x16xf32> to vector<128x1xf32>
    %slice3A_240 = vector.extract_strided_slice %transpose3A_69 {offsets = [0, 3], sizes = [128, 1], strides = [1, 1]} : vector<128x16xf32> to vector<128x1xf32>
    %slice3A_241 = vector.extract_strided_slice %transpose3A_73 {offsets = [0, 3], sizes = [128, 1], strides = [1, 1]} : vector<128x16xf32> to vector<128x1xf32>
    %mul3A_242 = vector.broadcast %slice3A_241 : vector<128x1xf32> to vector<128x128xf32>
    %mul3A_243 = vector.broadcast %dot_general3A_8 : vector<1x128xf32> to vector<128x128xf32>
    %mul3A_244 = arith.mulf %mul3A_242, %mul3A_243 : vector<128x128xf32>
    %mul3A_245 = vector.broadcast %slice3A_239 : vector<128x1xf32> to vector<128x128xf32>
    %mul3A_246 = vector.broadcast %dot_general3A_13 : vector<1x128xf32> to vector<128x128xf32>
    %mul3A_247 = arith.mulf %mul3A_245, %mul3A_246 : vector<128x128xf32>
    %add3A_248 = arith.addf %mul3A_244, %mul3A_247 : vector<128x128xf32>
    %mul3A_249 = vector.broadcast %slice3A_240 : vector<128x1xf32> to vector<128x128xf32>
    %mul3A_250 = vector.broadcast %dot_general3A_26 : vector<1x128xf32> to vector<128x128xf32>
    %mul3A_251 = arith.mulf %mul3A_249, %mul3A_250 : vector<128x128xf32>
    %add3A_252 = arith.addf %add3A_248, %mul3A_251 : vector<128x128xf32>
    %add3A_253 = vector.broadcast %add3A : vector<1x128xf32> to vector<128x128xf32>
    %add3A_254 = arith.addf %add3A_252, %add3A_253 : vector<128x128xf32>
    %max3A_255 = arith.constant 0.000000e+00 : f32
    %max3A_256 = vector.broadcast %max3A_255 : f32 to vector<128x128xf32>
    %max3A_257 = arith.maximumf %add3A_254, %max3A_256 : vector<128x128xf32>
    %swap3A_258 = arith.constant 384 : index
    %swap3A_259 = arith.constant 0 : index
    %swap3A_260 = vector.load %arg14[%swap3A_258, %swap3A_259] : memref<2048x128xf32, #tpu.memory_space<vmem>>, vector<128x128xf32>
    tpu.vector_store %arg14[%swap3A_258, %swap3A_259], %max3A_257 {strides = array<i32>} : memref<2048x128xf32, #tpu.memory_space<vmem>>, vector<128x128xf32>,
    %dot_general3A_261 = arith.constant dense<0.000000e+00> : vector<128x1xf32>
    %dot_general3A_262 = tpu.matmul %max3A_257, %slice3A, %dot_general3A_261 {dimension_numbers = #tpu.dot_dimension_numbers<[1], [0], [0], [1], [0, 0, 1, 1], [], []>, transpose_lhs_hint = false} : vector<128x128xf32>, vector<128x1xf32>, vector<128x1xf32> -> vector<128x1xf32>
    %mul3A_263 = vector.broadcast %squeeze3A : f32 to vector<128x1xf32>
    %mul3A_264 = arith.mulf %slice3A_241, %mul3A_263 : vector<128x1xf32>
    %add3A_265 = arith.addf %dot_general3A_262, %mul3A_264 : vector<128x1xf32>
    %add3A_266 = vector.broadcast %add3A_41 : f32 to vector<128x1xf32>
    %add3A_267 = arith.addf %add3A_265, %add3A_266 : vector<128x1xf32>
    %logistic3A_268 = arith.negf %add3A_267 : vector<128x1xf32>
    %logistic3A_269 = math.exp %logistic3A_268 : vector<128x1xf32>
    %logistic3A_270 = arith.constant 1.000000e+00 : f32
    %logistic3A_271 = vector.broadcast %logistic3A_270 : f32 to vector<128x1xf32>
    %logistic3A_272 = arith.addf %logistic3A_271, %logistic3A_269 : vector<128x1xf32>
    %logistic3A_273 = arith.divf %logistic3A_271, %logistic3A_272 : vector<128x1xf32>
    %swap3A_274 = arith.constant 384 : index
    %swap3A_275 = arith.constant 0 : index
    %swap3A_276 = vector.load %arg13[%swap3A_274, %swap3A_275] : memref<2048x1xf32, #tpu.memory_space<vmem>>, vector<128x1xf32>
    tpu.vector_store %arg13[%swap3A_274, %swap3A_275], %logistic3A_273 {strides = array<i32>} : memref<2048x1xf32, #tpu.memory_space<vmem>>, vector<128x1xf32>,
    %add3A_277 = arith.constant 384 : i32
    %add3A_278 = arith.addi %mul3A_74, %add3A_277 : i32
    %add3A_279 = vector.broadcast %add3A_278 : i32 to vector<128x1xi32>
    %add3A_280 = arith.addi %iota3A, %add3A_279 : vector<128x1xi32>
    %lt3A_281 = arith.constant 10000 : i32
    %lt3A_282 = vector.broadcast %lt3A_281 : i32 to vector<128x1xi32>
    %lt3A_283 = arith.cmpi slt, %add3A_280, %lt3A_282 : vector<128x1xi32>
    %jit3A_284 = arith.constant 0.000000e+00 : f32
    %broadcast_in_dim3A_285 = vector.shape_cast %lt3A_283 : vector<128x1xi1> to vector<128x1xi1>
    %broadcast_in_dim3A_286 = vector.broadcast %broadcast_in_dim3A_285 : vector<128x1xi1> to vector<128x128xi1>
    %broadcast_in_dim3A_287 = vector.broadcast %jit3A_284 : f32 to vector<128x128xf32>
    %select_n3A_288 = arith.select %broadcast_in_dim3A_286, %max3A_257, %broadcast_in_dim3A_287 : vector<128x128xi1>, vector<128x128xf32>
    %reduce_max3A_289 = arith.constant dense<0xFF800000> : vector<128xf32>
    %reduce_max3A_290 = vector.multi_reduction <maximumf>, %select_n3A_288, %reduce_max3A_289 [0] : vector<128x128xf32> to vector<128xf32>
    %broadcast_in_dim3A_291 = vector.shape_cast %reduce_max3A_290 : vector<128xf32> to vector<1x128xf32>
    %reduce_sum3A_292 = arith.constant dense<0.000000e+00> : vector<128xf32>
    %reduce_sum3A_293 = vector.multi_reduction <add>, %select_n3A_288, %reduce_sum3A_292 [0] : vector<128x128xf32> to vector<128xf32>
    %broadcast_in_dim3A_294 = vector.shape_cast %reduce_sum3A_293 : vector<128xf32> to vector<1x128xf32>
    %max3A_295 = arith.maximumf %max3A_237, %broadcast_in_dim3A_291 : vector<1x128xf32>
    %add3A_296 = arith.addf %add3A_238, %broadcast_in_dim3A_294 : vector<1x128xf32>
    %slice3A_297 = vector.extract_strided_slice %transpose3A {offsets = [0, 4], sizes = [128, 1], strides = [1, 1]} : vector<128x16xf32> to vector<128x1xf32>
    %slice3A_298 = vector.extract_strided_slice %transpose3A_69 {offsets = [0, 4], sizes = [128, 1], strides = [1, 1]} : vector<128x16xf32> to vector<128x1xf32>
    %slice3A_299 = vector.extract_strided_slice %transpose3A_73 {offsets = [0, 4], sizes = [128, 1], strides = [1, 1]} : vector<128x16xf32> to vector<128x1xf32>
    %mul3A_300 = vector.broadcast %slice3A_299 : vector<128x1xf32> to vector<128x128xf32>
    %mul3A_301 = vector.broadcast %dot_general3A_8 : vector<1x128xf32> to vector<128x128xf32>
    %mul3A_302 = arith.mulf %mul3A_300, %mul3A_301 : vector<128x128xf32>
    %mul3A_303 = vector.broadcast %slice3A_297 : vector<128x1xf32> to vector<128x128xf32>
    %mul3A_304 = vector.broadcast %dot_general3A_13 : vector<1x128xf32> to vector<128x128xf32>
    %mul3A_305 = arith.mulf %mul3A_303, %mul3A_304 : vector<128x128xf32>
    %add3A_306 = arith.addf %mul3A_302, %mul3A_305 : vector<128x128xf32>
    %mul3A_307 = vector.broadcast %slice3A_298 : vector<128x1xf32> to vector<128x128xf32>
    %mul3A_308 = vector.broadcast %dot_general3A_26 : vector<1x128xf32> to vector<128x128xf32>
    %mul3A_309 = arith.mulf %mul3A_307, %mul3A_308 : vector<128x128xf32>
    %add3A_310 = arith.addf %add3A_306, %mul3A_309 : vector<128x128xf32>
    %add3A_311 = vector.broadcast %add3A : vector<1x128xf32> to vector<128x128xf32>
    %add3A_312 = arith.addf %add3A_310, %add3A_311 : vector<128x128xf32>
    %max3A_313 = arith.constant 0.000000e+00 : f32
    %max3A_314 = vector.broadcast %max3A_313 : f32 to vector<128x128xf32>
    %max3A_315 = arith.maximumf %add3A_312, %max3A_314 : vector<128x128xf32>
    %swap3A_316 = arith.constant 512 : index
    %swap3A_317 = arith.constant 0 : index
    %swap3A_318 = vector.load %arg14[%swap3A_316, %swap3A_317] : memref<2048x128xf32, #tpu.memory_space<vmem>>, vector<128x128xf32>
    tpu.vector_store %arg14[%swap3A_316, %swap3A_317], %max3A_315 {strides = array<i32>} : memref<2048x128xf32, #tpu.memory_space<vmem>>, vector<128x128xf32>,
    %dot_general3A_319 = arith.constant dense<0.000000e+00> : vector<128x1xf32>
    %dot_general3A_320 = tpu.matmul %max3A_315, %slice3A, %dot_general3A_319 {dimension_numbers = #tpu.dot_dimension_numbers<[1], [0], [0], [1], [0, 0, 1, 1], [], []>, transpose_lhs_hint = false} : vector<128x128xf32>, vector<128x1xf32>, vector<128x1xf32> -> vector<128x1xf32>
    %mul3A_321 = vector.broadcast %squeeze3A : f32 to vector<128x1xf32>
    %mul3A_322 = arith.mulf %slice3A_299, %mul3A_321 : vector<128x1xf32>
    %add3A_323 = arith.addf %dot_general3A_320, %mul3A_322 : vector<128x1xf32>
    %add3A_324 = vector.broadcast %add3A_41 : f32 to vector<128x1xf32>
    %add3A_325 = arith.addf %add3A_323, %add3A_324 : vector<128x1xf32>
    %logistic3A_326 = arith.negf %add3A_325 : vector<128x1xf32>
    %logistic3A_327 = math.exp %logistic3A_326 : vector<128x1xf32>
    %logistic3A_328 = arith.constant 1.000000e+00 : f32
    %logistic3A_329 = vector.broadcast %logistic3A_328 : f32 to vector<128x1xf32>
    %logistic3A_330 = arith.addf %logistic3A_329, %logistic3A_327 : vector<128x1xf32>
    %logistic3A_331 = arith.divf %logistic3A_329, %logistic3A_330 : vector<128x1xf32>
    %swap3A_332 = arith.constant 512 : index
    %swap3A_333 = arith.constant 0 : index
    %swap3A_334 = vector.load %arg13[%swap3A_332, %swap3A_333] : memref<2048x1xf32, #tpu.memory_space<vmem>>, vector<128x1xf32>
    tpu.vector_store %arg13[%swap3A_332, %swap3A_333], %logistic3A_331 {strides = array<i32>} : memref<2048x1xf32, #tpu.memory_space<vmem>>, vector<128x1xf32>,
    %add3A_335 = arith.constant 512 : i32
    %add3A_336 = arith.addi %mul3A_74, %add3A_335 : i32
    %add3A_337 = vector.broadcast %add3A_336 : i32 to vector<128x1xi32>
    %add3A_338 = arith.addi %iota3A, %add3A_337 : vector<128x1xi32>
    %lt3A_339 = arith.constant 10000 : i32
    %lt3A_340 = vector.broadcast %lt3A_339 : i32 to vector<128x1xi32>
    %lt3A_341 = arith.cmpi slt, %add3A_338, %lt3A_340 : vector<128x1xi32>
    %jit3A_342 = arith.constant 0.000000e+00 : f32
    %broadcast_in_dim3A_343 = vector.shape_cast %lt3A_341 : vector<128x1xi1> to vector<128x1xi1>
    %broadcast_in_dim3A_344 = vector.broadcast %broadcast_in_dim3A_343 : vector<128x1xi1> to vector<128x128xi1>
    %broadcast_in_dim3A_345 = vector.broadcast %jit3A_342 : f32 to vector<128x128xf32>
    %select_n3A_346 = arith.select %broadcast_in_dim3A_344, %max3A_315, %broadcast_in_dim3A_345 : vector<128x128xi1>, vector<128x128xf32>
    %reduce_max3A_347 = arith.constant dense<0xFF800000> : vector<128xf32>
    %reduce_max3A_348 = vector.multi_reduction <maximumf>, %select_n3A_346, %reduce_max3A_347 [0] : vector<128x128xf32> to vector<128xf32>
    %broadcast_in_dim3A_349 = vector.shape_cast %reduce_max3A_348 : vector<128xf32> to vector<1x128xf32>
    %reduce_sum3A_350 = arith.constant dense<0.000000e+00> : vector<128xf32>
    %reduce_sum3A_351 = vector.multi_reduction <add>, %select_n3A_346, %reduce_sum3A_350 [0] : vector<128x128xf32> to vector<128xf32>
    %broadcast_in_dim3A_352 = vector.shape_cast %reduce_sum3A_351 : vector<128xf32> to vector<1x128xf32>
    %max3A_353 = arith.maximumf %max3A_295, %broadcast_in_dim3A_349 : vector<1x128xf32>
    %add3A_354 = arith.addf %add3A_296, %broadcast_in_dim3A_352 : vector<1x128xf32>
    %slice3A_355 = vector.extract_strided_slice %transpose3A {offsets = [0, 5], sizes = [128, 1], strides = [1, 1]} : vector<128x16xf32> to vector<128x1xf32>
    %slice3A_356 = vector.extract_strided_slice %transpose3A_69 {offsets = [0, 5], sizes = [128, 1], strides = [1, 1]} : vector<128x16xf32> to vector<128x1xf32>
    %slice3A_357 = vector.extract_strided_slice %transpose3A_73 {offsets = [0, 5], sizes = [128, 1], strides = [1, 1]} : vector<128x16xf32> to vector<128x1xf32>
    %mul3A_358 = vector.broadcast %slice3A_357 : vector<128x1xf32> to vector<128x128xf32>
    %mul3A_359 = vector.broadcast %dot_general3A_8 : vector<1x128xf32> to vector<128x128xf32>
    %mul3A_360 = arith.mulf %mul3A_358, %mul3A_359 : vector<128x128xf32>
    %mul3A_361 = vector.broadcast %slice3A_355 : vector<128x1xf32> to vector<128x128xf32>
    %mul3A_362 = vector.broadcast %dot_general3A_13 : vector<1x128xf32> to vector<128x128xf32>
    %mul3A_363 = arith.mulf %mul3A_361, %mul3A_362 : vector<128x128xf32>
    %add3A_364 = arith.addf %mul3A_360, %mul3A_363 : vector<128x128xf32>
    %mul3A_365 = vector.broadcast %slice3A_356 : vector<128x1xf32> to vector<128x128xf32>
    %mul3A_366 = vector.broadcast %dot_general3A_26 : vector<1x128xf32> to vector<128x128xf32>
    %mul3A_367 = arith.mulf %mul3A_365, %mul3A_366 : vector<128x128xf32>
    %add3A_368 = arith.addf %add3A_364, %mul3A_367 : vector<128x128xf32>
    %add3A_369 = vector.broadcast %add3A : vector<1x128xf32> to vector<128x128xf32>
    %add3A_370 = arith.addf %add3A_368, %add3A_369 : vector<128x128xf32>
    %max3A_371 = arith.constant 0.000000e+00 : f32
    %max3A_372 = vector.broadcast %max3A_371 : f32 to vector<128x128xf32>
    %max3A_373 = arith.maximumf %add3A_370, %max3A_372 : vector<128x128xf32>
    %swap3A_374 = arith.constant 640 : index
    %swap3A_375 = arith.constant 0 : index
    %swap3A_376 = vector.load %arg14[%swap3A_374, %swap3A_375] : memref<2048x128xf32, #tpu.memory_space<vmem>>, vector<128x128xf32>
    tpu.vector_store %arg14[%swap3A_374, %swap3A_375], %max3A_373 {strides = array<i32>} : memref<2048x128xf32, #tpu.memory_space<vmem>>, vector<128x128xf32>,
    %dot_general3A_377 = arith.constant dense<0.000000e+00> : vector<128x1xf32>
    %dot_general3A_378 = tpu.matmul %max3A_373, %slice3A, %dot_general3A_377 {dimension_numbers = #tpu.dot_dimension_numbers<[1], [0], [0], [1], [0, 0, 1, 1], [], []>, transpose_lhs_hint = false} : vector<128x128xf32>, vector<128x1xf32>, vector<128x1xf32> -> vector<128x1xf32>
    %mul3A_379 = vector.broadcast %squeeze3A : f32 to vector<128x1xf32>
    %mul3A_380 = arith.mulf %slice3A_357, %mul3A_379 : vector<128x1xf32>
    %add3A_381 = arith.addf %dot_general3A_378, %mul3A_380 : vector<128x1xf32>
    %add3A_382 = vector.broadcast %add3A_41 : f32 to vector<128x1xf32>
    %add3A_383 = arith.addf %add3A_381, %add3A_382 : vector<128x1xf32>
    %logistic3A_384 = arith.negf %add3A_383 : vector<128x1xf32>
    %logistic3A_385 = math.exp %logistic3A_384 : vector<128x1xf32>
    %logistic3A_386 = arith.constant 1.000000e+00 : f32
    %logistic3A_387 = vector.broadcast %logistic3A_386 : f32 to vector<128x1xf32>
    %logistic3A_388 = arith.addf %logistic3A_387, %logistic3A_385 : vector<128x1xf32>
    %logistic3A_389 = arith.divf %logistic3A_387, %logistic3A_388 : vector<128x1xf32>
    %swap3A_390 = arith.constant 640 : index
    %swap3A_391 = arith.constant 0 : index
    %swap3A_392 = vector.load %arg13[%swap3A_390, %swap3A_391] : memref<2048x1xf32, #tpu.memory_space<vmem>>, vector<128x1xf32>
    tpu.vector_store %arg13[%swap3A_390, %swap3A_391], %logistic3A_389 {strides = array<i32>} : memref<2048x1xf32, #tpu.memory_space<vmem>>, vector<128x1xf32>,
    %add3A_393 = arith.constant 640 : i32
    %add3A_394 = arith.addi %mul3A_74, %add3A_393 : i32
    %add3A_395 = vector.broadcast %add3A_394 : i32 to vector<128x1xi32>
    %add3A_396 = arith.addi %iota3A, %add3A_395 : vector<128x1xi32>
    %lt3A_397 = arith.constant 10000 : i32
    %lt3A_398 = vector.broadcast %lt3A_397 : i32 to vector<128x1xi32>
    %lt3A_399 = arith.cmpi slt, %add3A_396, %lt3A_398 : vector<128x1xi32>
    %jit3A_400 = arith.constant 0.000000e+00 : f32
    %broadcast_in_dim3A_401 = vector.shape_cast %lt3A_399 : vector<128x1xi1> to vector<128x1xi1>
    %broadcast_in_dim3A_402 = vector.broadcast %broadcast_in_dim3A_401 : vector<128x1xi1> to vector<128x128xi1>
    %broadcast_in_dim3A_403 = vector.broadcast %jit3A_400 : f32 to vector<128x128xf32>
    %select_n3A_404 = arith.select %broadcast_in_dim3A_402, %max3A_373, %broadcast_in_dim3A_403 : vector<128x128xi1>, vector<128x128xf32>
    %reduce_max3A_405 = arith.constant dense<0xFF800000> : vector<128xf32>
    %reduce_max3A_406 = vector.multi_reduction <maximumf>, %select_n3A_404, %reduce_max3A_405 [0] : vector<128x128xf32> to vector<128xf32>
    %broadcast_in_dim3A_407 = vector.shape_cast %reduce_max3A_406 : vector<128xf32> to vector<1x128xf32>
    %reduce_sum3A_408 = arith.constant dense<0.000000e+00> : vector<128xf32>
    %reduce_sum3A_409 = vector.multi_reduction <add>, %select_n3A_404, %reduce_sum3A_408 [0] : vector<128x128xf32> to vector<128xf32>
    %broadcast_in_dim3A_410 = vector.shape_cast %reduce_sum3A_409 : vector<128xf32> to vector<1x128xf32>
    %max3A_411 = arith.maximumf %max3A_353, %broadcast_in_dim3A_407 : vector<1x128xf32>
    %add3A_412 = arith.addf %add3A_354, %broadcast_in_dim3A_410 : vector<1x128xf32>
    %slice3A_413 = vector.extract_strided_slice %transpose3A {offsets = [0, 6], sizes = [128, 1], strides = [1, 1]} : vector<128x16xf32> to vector<128x1xf32>
    %slice3A_414 = vector.extract_strided_slice %transpose3A_69 {offsets = [0, 6], sizes = [128, 1], strides = [1, 1]} : vector<128x16xf32> to vector<128x1xf32>
    %slice3A_415 = vector.extract_strided_slice %transpose3A_73 {offsets = [0, 6], sizes = [128, 1], strides = [1, 1]} : vector<128x16xf32> to vector<128x1xf32>
    %mul3A_416 = vector.broadcast %slice3A_415 : vector<128x1xf32> to vector<128x128xf32>
    %mul3A_417 = vector.broadcast %dot_general3A_8 : vector<1x128xf32> to vector<128x128xf32>
    %mul3A_418 = arith.mulf %mul3A_416, %mul3A_417 : vector<128x128xf32>
    %mul3A_419 = vector.broadcast %slice3A_413 : vector<128x1xf32> to vector<128x128xf32>
    %mul3A_420 = vector.broadcast %dot_general3A_13 : vector<1x128xf32> to vector<128x128xf32>
    %mul3A_421 = arith.mulf %mul3A_419, %mul3A_420 : vector<128x128xf32>
    %add3A_422 = arith.addf %mul3A_418, %mul3A_421 : vector<128x128xf32>
    %mul3A_423 = vector.broadcast %slice3A_414 : vector<128x1xf32> to vector<128x128xf32>
    %mul3A_424 = vector.broadcast %dot_general3A_26 : vector<1x128xf32> to vector<128x128xf32>
    %mul3A_425 = arith.mulf %mul3A_423, %mul3A_424 : vector<128x128xf32>
    %add3A_426 = arith.addf %add3A_422, %mul3A_425 : vector<128x128xf32>
    %add3A_427 = vector.broadcast %add3A : vector<1x128xf32> to vector<128x128xf32>
    %add3A_428 = arith.addf %add3A_426, %add3A_427 : vector<128x128xf32>
    %max3A_429 = arith.constant 0.000000e+00 : f32
    %max3A_430 = vector.broadcast %max3A_429 : f32 to vector<128x128xf32>
    %max3A_431 = arith.maximumf %add3A_428, %max3A_430 : vector<128x128xf32>
    %swap3A_432 = arith.constant 768 : index
    %swap3A_433 = arith.constant 0 : index
    %swap3A_434 = vector.load %arg14[%swap3A_432, %swap3A_433] : memref<2048x128xf32, #tpu.memory_space<vmem>>, vector<128x128xf32>
    tpu.vector_store %arg14[%swap3A_432, %swap3A_433], %max3A_431 {strides = array<i32>} : memref<2048x128xf32, #tpu.memory_space<vmem>>, vector<128x128xf32>,
    %dot_general3A_435 = arith.constant dense<0.000000e+00> : vector<128x1xf32>
    %dot_general3A_436 = tpu.matmul %max3A_431, %slice3A, %dot_general3A_435 {dimension_numbers = #tpu.dot_dimension_numbers<[1], [0], [0], [1], [0, 0, 1, 1], [], []>, transpose_lhs_hint = false} : vector<128x128xf32>, vector<128x1xf32>, vector<128x1xf32> -> vector<128x1xf32>
    %mul3A_437 = vector.broadcast %squeeze3A : f32 to vector<128x1xf32>
    %mul3A_438 = arith.mulf %slice3A_415, %mul3A_437 : vector<128x1xf32>
    %add3A_439 = arith.addf %dot_general3A_436, %mul3A_438 : vector<128x1xf32>
    %add3A_440 = vector.broadcast %add3A_41 : f32 to vector<128x1xf32>
    %add3A_441 = arith.addf %add3A_439, %add3A_440 : vector<128x1xf32>
    %logistic3A_442 = arith.negf %add3A_441 : vector<128x1xf32>
    %logistic3A_443 = math.exp %logistic3A_442 : vector<128x1xf32>
    %logistic3A_444 = arith.constant 1.000000e+00 : f32
    %logistic3A_445 = vector.broadcast %logistic3A_444 : f32 to vector<128x1xf32>
    %logistic3A_446 = arith.addf %logistic3A_445, %logistic3A_443 : vector<128x1xf32>
    %logistic3A_447 = arith.divf %logistic3A_445, %logistic3A_446 : vector<128x1xf32>
    %swap3A_448 = arith.constant 768 : index
    %swap3A_449 = arith.constant 0 : index
    %swap3A_450 = vector.load %arg13[%swap3A_448, %swap3A_449] : memref<2048x1xf32, #tpu.memory_space<vmem>>, vector<128x1xf32>
    tpu.vector_store %arg13[%swap3A_448, %swap3A_449], %logistic3A_447 {strides = array<i32>} : memref<2048x1xf32, #tpu.memory_space<vmem>>, vector<128x1xf32>,
    %add3A_451 = arith.constant 768 : i32
    %add3A_452 = arith.addi %mul3A_74, %add3A_451 : i32
    %add3A_453 = vector.broadcast %add3A_452 : i32 to vector<128x1xi32>
    %add3A_454 = arith.addi %iota3A, %add3A_453 : vector<128x1xi32>
    %lt3A_455 = arith.constant 10000 : i32
    %lt3A_456 = vector.broadcast %lt3A_455 : i32 to vector<128x1xi32>
    %lt3A_457 = arith.cmpi slt, %add3A_454, %lt3A_456 : vector<128x1xi32>
    %jit3A_458 = arith.constant 0.000000e+00 : f32
    %broadcast_in_dim3A_459 = vector.shape_cast %lt3A_457 : vector<128x1xi1> to vector<128x1xi1>
    %broadcast_in_dim3A_460 = vector.broadcast %broadcast_in_dim3A_459 : vector<128x1xi1> to vector<128x128xi1>
    %broadcast_in_dim3A_461 = vector.broadcast %jit3A_458 : f32 to vector<128x128xf32>
    %select_n3A_462 = arith.select %broadcast_in_dim3A_460, %max3A_431, %broadcast_in_dim3A_461 : vector<128x128xi1>, vector<128x128xf32>
    %reduce_max3A_463 = arith.constant dense<0xFF800000> : vector<128xf32>
    %reduce_max3A_464 = vector.multi_reduction <maximumf>, %select_n3A_462, %reduce_max3A_463 [0] : vector<128x128xf32> to vector<128xf32>
    %broadcast_in_dim3A_465 = vector.shape_cast %reduce_max3A_464 : vector<128xf32> to vector<1x128xf32>
    %reduce_sum3A_466 = arith.constant dense<0.000000e+00> : vector<128xf32>
    %reduce_sum3A_467 = vector.multi_reduction <add>, %select_n3A_462, %reduce_sum3A_466 [0] : vector<128x128xf32> to vector<128xf32>
    %broadcast_in_dim3A_468 = vector.shape_cast %reduce_sum3A_467 : vector<128xf32> to vector<1x128xf32>
    %max3A_469 = arith.maximumf %max3A_411, %broadcast_in_dim3A_465 : vector<1x128xf32>
    %add3A_470 = arith.addf %add3A_412, %broadcast_in_dim3A_468 : vector<1x128xf32>
    %slice3A_471 = vector.extract_strided_slice %transpose3A {offsets = [0, 7], sizes = [128, 1], strides = [1, 1]} : vector<128x16xf32> to vector<128x1xf32>
    %slice3A_472 = vector.extract_strided_slice %transpose3A_69 {offsets = [0, 7], sizes = [128, 1], strides = [1, 1]} : vector<128x16xf32> to vector<128x1xf32>
    %slice3A_473 = vector.extract_strided_slice %transpose3A_73 {offsets = [0, 7], sizes = [128, 1], strides = [1, 1]} : vector<128x16xf32> to vector<128x1xf32>
    %mul3A_474 = vector.broadcast %slice3A_473 : vector<128x1xf32> to vector<128x128xf32>
    %mul3A_475 = vector.broadcast %dot_general3A_8 : vector<1x128xf32> to vector<128x128xf32>
    %mul3A_476 = arith.mulf %mul3A_474, %mul3A_475 : vector<128x128xf32>
    %mul3A_477 = vector.broadcast %slice3A_471 : vector<128x1xf32> to vector<128x128xf32>
    %mul3A_478 = vector.broadcast %dot_general3A_13 : vector<1x128xf32> to vector<128x128xf32>
    %mul3A_479 = arith.mulf %mul3A_477, %mul3A_478 : vector<128x128xf32>
    %add3A_480 = arith.addf %mul3A_476, %mul3A_479 : vector<128x128xf32>
    %mul3A_481 = vector.broadcast %slice3A_472 : vector<128x1xf32> to vector<128x128xf32>
    %mul3A_482 = vector.broadcast %dot_general3A_26 : vector<1x128xf32> to vector<128x128xf32>
    %mul3A_483 = arith.mulf %mul3A_481, %mul3A_482 : vector<128x128xf32>
    %add3A_484 = arith.addf %add3A_480, %mul3A_483 : vector<128x128xf32>
    %add3A_485 = vector.broadcast %add3A : vector<1x128xf32> to vector<128x128xf32>
    %add3A_486 = arith.addf %add3A_484, %add3A_485 : vector<128x128xf32>
    %max3A_487 = arith.constant 0.000000e+00 : f32
    %max3A_488 = vector.broadcast %max3A_487 : f32 to vector<128x128xf32>
    %max3A_489 = arith.maximumf %add3A_486, %max3A_488 : vector<128x128xf32>
    %swap3A_490 = arith.constant 896 : index
    %swap3A_491 = arith.constant 0 : index
    %swap3A_492 = vector.load %arg14[%swap3A_490, %swap3A_491] : memref<2048x128xf32, #tpu.memory_space<vmem>>, vector<128x128xf32>
    tpu.vector_store %arg14[%swap3A_490, %swap3A_491], %max3A_489 {strides = array<i32>} : memref<2048x128xf32, #tpu.memory_space<vmem>>, vector<128x128xf32>,
    %dot_general3A_493 = arith.constant dense<0.000000e+00> : vector<128x1xf32>
    %dot_general3A_494 = tpu.matmul %max3A_489, %slice3A, %dot_general3A_493 {dimension_numbers = #tpu.dot_dimension_numbers<[1], [0], [0], [1], [0, 0, 1, 1], [], []>, transpose_lhs_hint = false} : vector<128x128xf32>, vector<128x1xf32>, vector<128x1xf32> -> vector<128x1xf32>
    %mul3A_495 = vector.broadcast %squeeze3A : f32 to vector<128x1xf32>
    %mul3A_496 = arith.mulf %slice3A_473, %mul3A_495 : vector<128x1xf32>
    %add3A_497 = arith.addf %dot_general3A_494, %mul3A_496 : vector<128x1xf32>
    %add3A_498 = vector.broadcast %add3A_41 : f32 to vector<128x1xf32>
    %add3A_499 = arith.addf %add3A_497, %add3A_498 : vector<128x1xf32>
    %logistic3A_500 = arith.negf %add3A_499 : vector<128x1xf32>
    %logistic3A_501 = math.exp %logistic3A_500 : vector<128x1xf32>
    %logistic3A_502 = arith.constant 1.000000e+00 : f32
    %logistic3A_503 = vector.broadcast %logistic3A_502 : f32 to vector<128x1xf32>
    %logistic3A_504 = arith.addf %logistic3A_503, %logistic3A_501 : vector<128x1xf32>
    %logistic3A_505 = arith.divf %logistic3A_503, %logistic3A_504 : vector<128x1xf32>
    %swap3A_506 = arith.constant 896 : index
    %swap3A_507 = arith.constant 0 : index
    %swap3A_508 = vector.load %arg13[%swap3A_506, %swap3A_507] : memref<2048x1xf32, #tpu.memory_space<vmem>>, vector<128x1xf32>
    tpu.vector_store %arg13[%swap3A_506, %swap3A_507], %logistic3A_505 {strides = array<i32>} : memref<2048x1xf32, #tpu.memory_space<vmem>>, vector<128x1xf32>,
    %add3A_509 = arith.constant 896 : i32
    %add3A_510 = arith.addi %mul3A_74, %add3A_509 : i32
    %add3A_511 = vector.broadcast %add3A_510 : i32 to vector<128x1xi32>
    %add3A_512 = arith.addi %iota3A, %add3A_511 : vector<128x1xi32>
    %lt3A_513 = arith.constant 10000 : i32
    %lt3A_514 = vector.broadcast %lt3A_513 : i32 to vector<128x1xi32>
    %lt3A_515 = arith.cmpi slt, %add3A_512, %lt3A_514 : vector<128x1xi32>
    %jit3A_516 = arith.constant 0.000000e+00 : f32
    %broadcast_in_dim3A_517 = vector.shape_cast %lt3A_515 : vector<128x1xi1> to vector<128x1xi1>
    %broadcast_in_dim3A_518 = vector.broadcast %broadcast_in_dim3A_517 : vector<128x1xi1> to vector<128x128xi1>
    %broadcast_in_dim3A_519 = vector.broadcast %jit3A_516 : f32 to vector<128x128xf32>
    %select_n3A_520 = arith.select %broadcast_in_dim3A_518, %max3A_489, %broadcast_in_dim3A_519 : vector<128x128xi1>, vector<128x128xf32>
    %reduce_max3A_521 = arith.constant dense<0xFF800000> : vector<128xf32>
    %reduce_max3A_522 = vector.multi_reduction <maximumf>, %select_n3A_520, %reduce_max3A_521 [0] : vector<128x128xf32> to vector<128xf32>
    %broadcast_in_dim3A_523 = vector.shape_cast %reduce_max3A_522 : vector<128xf32> to vector<1x128xf32>
    %reduce_sum3A_524 = arith.constant dense<0.000000e+00> : vector<128xf32>
    %reduce_sum3A_525 = vector.multi_reduction <add>, %select_n3A_520, %reduce_sum3A_524 [0] : vector<128x128xf32> to vector<128xf32>
    %broadcast_in_dim3A_526 = vector.shape_cast %reduce_sum3A_525 : vector<128xf32> to vector<1x128xf32>
    %max3A_527 = arith.maximumf %max3A_469, %broadcast_in_dim3A_523 : vector<1x128xf32>
    %add3A_528 = arith.addf %add3A_470, %broadcast_in_dim3A_526 : vector<1x128xf32>
    %slice3A_529 = vector.extract_strided_slice %transpose3A {offsets = [0, 8], sizes = [128, 1], strides = [1, 1]} : vector<128x16xf32> to vector<128x1xf32>
    %slice3A_530 = vector.extract_strided_slice %transpose3A_69 {offsets = [0, 8], sizes = [128, 1], strides = [1, 1]} : vector<128x16xf32> to vector<128x1xf32>
    %slice3A_531 = vector.extract_strided_slice %transpose3A_73 {offsets = [0, 8], sizes = [128, 1], strides = [1, 1]} : vector<128x16xf32> to vector<128x1xf32>
    %mul3A_532 = vector.broadcast %slice3A_531 : vector<128x1xf32> to vector<128x128xf32>
    %mul3A_533 = vector.broadcast %dot_general3A_8 : vector<1x128xf32> to vector<128x128xf32>
    %mul3A_534 = arith.mulf %mul3A_532, %mul3A_533 : vector<128x128xf32>
    %mul3A_535 = vector.broadcast %slice3A_529 : vector<128x1xf32> to vector<128x128xf32>
    %mul3A_536 = vector.broadcast %dot_general3A_13 : vector<1x128xf32> to vector<128x128xf32>
    %mul3A_537 = arith.mulf %mul3A_535, %mul3A_536 : vector<128x128xf32>
    %add3A_538 = arith.addf %mul3A_534, %mul3A_537 : vector<128x128xf32>
    %mul3A_539 = vector.broadcast %slice3A_530 : vector<128x1xf32> to vector<128x128xf32>
    %mul3A_540 = vector.broadcast %dot_general3A_26 : vector<1x128xf32> to vector<128x128xf32>
    %mul3A_541 = arith.mulf %mul3A_539, %mul3A_540 : vector<128x128xf32>
    %add3A_542 = arith.addf %add3A_538, %mul3A_541 : vector<128x128xf32>
    %add3A_543 = vector.broadcast %add3A : vector<1x128xf32> to vector<128x128xf32>
    %add3A_544 = arith.addf %add3A_542, %add3A_543 : vector<128x128xf32>
    %max3A_545 = arith.constant 0.000000e+00 : f32
    %max3A_546 = vector.broadcast %max3A_545 : f32 to vector<128x128xf32>
    %max3A_547 = arith.maximumf %add3A_544, %max3A_546 : vector<128x128xf32>
    %swap3A_548 = arith.constant 1024 : index
    %swap3A_549 = arith.constant 0 : index
    %swap3A_550 = vector.load %arg14[%swap3A_548, %swap3A_549] : memref<2048x128xf32, #tpu.memory_space<vmem>>, vector<128x128xf32>
    tpu.vector_store %arg14[%swap3A_548, %swap3A_549], %max3A_547 {strides = array<i32>} : memref<2048x128xf32, #tpu.memory_space<vmem>>, vector<128x128xf32>,
    %dot_general3A_551 = arith.constant dense<0.000000e+00> : vector<128x1xf32>
    %dot_general3A_552 = tpu.matmul %max3A_547, %slice3A, %dot_general3A_551 {dimension_numbers = #tpu.dot_dimension_numbers<[1], [0], [0], [1], [0, 0, 1, 1], [], []>, transpose_lhs_hint = false} : vector<128x128xf32>, vector<128x1xf32>, vector<128x1xf32> -> vector<128x1xf32>
    %mul3A_553 = vector.broadcast %squeeze3A : f32 to vector<128x1xf32>
    %mul3A_554 = arith.mulf %slice3A_531, %mul3A_553 : vector<128x1xf32>
    %add3A_555 = arith.addf %dot_general3A_552, %mul3A_554 : vector<128x1xf32>
    %add3A_556 = vector.broadcast %add3A_41 : f32 to vector<128x1xf32>
    %add3A_557 = arith.addf %add3A_555, %add3A_556 : vector<128x1xf32>
    %logistic3A_558 = arith.negf %add3A_557 : vector<128x1xf32>
    %logistic3A_559 = math.exp %logistic3A_558 : vector<128x1xf32>
    %logistic3A_560 = arith.constant 1.000000e+00 : f32
    %logistic3A_561 = vector.broadcast %logistic3A_560 : f32 to vector<128x1xf32>
    %logistic3A_562 = arith.addf %logistic3A_561, %logistic3A_559 : vector<128x1xf32>
    %logistic3A_563 = arith.divf %logistic3A_561, %logistic3A_562 : vector<128x1xf32>
    %swap3A_564 = arith.constant 1024 : index
    %swap3A_565 = arith.constant 0 : index
    %swap3A_566 = vector.load %arg13[%swap3A_564, %swap3A_565] : memref<2048x1xf32, #tpu.memory_space<vmem>>, vector<128x1xf32>
    tpu.vector_store %arg13[%swap3A_564, %swap3A_565], %logistic3A_563 {strides = array<i32>} : memref<2048x1xf32, #tpu.memory_space<vmem>>, vector<128x1xf32>,
    %add3A_567 = arith.constant 1024 : i32
    %add3A_568 = arith.addi %mul3A_74, %add3A_567 : i32
    %add3A_569 = vector.broadcast %add3A_568 : i32 to vector<128x1xi32>
    %add3A_570 = arith.addi %iota3A, %add3A_569 : vector<128x1xi32>
    %lt3A_571 = arith.constant 10000 : i32
    %lt3A_572 = vector.broadcast %lt3A_571 : i32 to vector<128x1xi32>
    %lt3A_573 = arith.cmpi slt, %add3A_570, %lt3A_572 : vector<128x1xi32>
    %jit3A_574 = arith.constant 0.000000e+00 : f32
    %broadcast_in_dim3A_575 = vector.shape_cast %lt3A_573 : vector<128x1xi1> to vector<128x1xi1>
    %broadcast_in_dim3A_576 = vector.broadcast %broadcast_in_dim3A_575 : vector<128x1xi1> to vector<128x128xi1>
    %broadcast_in_dim3A_577 = vector.broadcast %jit3A_574 : f32 to vector<128x128xf32>
    %select_n3A_578 = arith.select %broadcast_in_dim3A_576, %max3A_547, %broadcast_in_dim3A_577 : vector<128x128xi1>, vector<128x128xf32>
    %reduce_max3A_579 = arith.constant dense<0xFF800000> : vector<128xf32>
    %reduce_max3A_580 = vector.multi_reduction <maximumf>, %select_n3A_578, %reduce_max3A_579 [0] : vector<128x128xf32> to vector<128xf32>
    %broadcast_in_dim3A_581 = vector.shape_cast %reduce_max3A_580 : vector<128xf32> to vector<1x128xf32>
    %reduce_sum3A_582 = arith.constant dense<0.000000e+00> : vector<128xf32>
    %reduce_sum3A_583 = vector.multi_reduction <add>, %select_n3A_578, %reduce_sum3A_582 [0] : vector<128x128xf32> to vector<128xf32>
    %broadcast_in_dim3A_584 = vector.shape_cast %reduce_sum3A_583 : vector<128xf32> to vector<1x128xf32>
    %max3A_585 = arith.maximumf %max3A_527, %broadcast_in_dim3A_581 : vector<1x128xf32>
    %add3A_586 = arith.addf %add3A_528, %broadcast_in_dim3A_584 : vector<1x128xf32>
    %slice3A_587 = vector.extract_strided_slice %transpose3A {offsets = [0, 9], sizes = [128, 1], strides = [1, 1]} : vector<128x16xf32> to vector<128x1xf32>
    %slice3A_588 = vector.extract_strided_slice %transpose3A_69 {offsets = [0, 9], sizes = [128, 1], strides = [1, 1]} : vector<128x16xf32> to vector<128x1xf32>
    %slice3A_589 = vector.extract_strided_slice %transpose3A_73 {offsets = [0, 9], sizes = [128, 1], strides = [1, 1]} : vector<128x16xf32> to vector<128x1xf32>
    %mul3A_590 = vector.broadcast %slice3A_589 : vector<128x1xf32> to vector<128x128xf32>
    %mul3A_591 = vector.broadcast %dot_general3A_8 : vector<1x128xf32> to vector<128x128xf32>
    %mul3A_592 = arith.mulf %mul3A_590, %mul3A_591 : vector<128x128xf32>
    %mul3A_593 = vector.broadcast %slice3A_587 : vector<128x1xf32> to vector<128x128xf32>
    %mul3A_594 = vector.broadcast %dot_general3A_13 : vector<1x128xf32> to vector<128x128xf32>
    %mul3A_595 = arith.mulf %mul3A_593, %mul3A_594 : vector<128x128xf32>
    %add3A_596 = arith.addf %mul3A_592, %mul3A_595 : vector<128x128xf32>
    %mul3A_597 = vector.broadcast %slice3A_588 : vector<128x1xf32> to vector<128x128xf32>
    %mul3A_598 = vector.broadcast %dot_general3A_26 : vector<1x128xf32> to vector<128x128xf32>
    %mul3A_599 = arith.mulf %mul3A_597, %mul3A_598 : vector<128x128xf32>
    %add3A_600 = arith.addf %add3A_596, %mul3A_599 : vector<128x128xf32>
    %add3A_601 = vector.broadcast %add3A : vector<1x128xf32> to vector<128x128xf32>
    %add3A_602 = arith.addf %add3A_600, %add3A_601 : vector<128x128xf32>
    %max3A_603 = arith.constant 0.000000e+00 : f32
    %max3A_604 = vector.broadcast %max3A_603 : f32 to vector<128x128xf32>
    %max3A_605 = arith.maximumf %add3A_602, %max3A_604 : vector<128x128xf32>
    %swap3A_606 = arith.constant 1152 : index
    %swap3A_607 = arith.constant 0 : index
    %swap3A_608 = vector.load %arg14[%swap3A_606, %swap3A_607] : memref<2048x128xf32, #tpu.memory_space<vmem>>, vector<128x128xf32>
    tpu.vector_store %arg14[%swap3A_606, %swap3A_607], %max3A_605 {strides = array<i32>} : memref<2048x128xf32, #tpu.memory_space<vmem>>, vector<128x128xf32>,
    %dot_general3A_609 = arith.constant dense<0.000000e+00> : vector<128x1xf32>
    %dot_general3A_610 = tpu.matmul %max3A_605, %slice3A, %dot_general3A_609 {dimension_numbers = #tpu.dot_dimension_numbers<[1], [0], [0], [1], [0, 0, 1, 1], [], []>, transpose_lhs_hint = false} : vector<128x128xf32>, vector<128x1xf32>, vector<128x1xf32> -> vector<128x1xf32>
    %mul3A_611 = vector.broadcast %squeeze3A : f32 to vector<128x1xf32>
    %mul3A_612 = arith.mulf %slice3A_589, %mul3A_611 : vector<128x1xf32>
    %add3A_613 = arith.addf %dot_general3A_610, %mul3A_612 : vector<128x1xf32>
    %add3A_614 = vector.broadcast %add3A_41 : f32 to vector<128x1xf32>
    %add3A_615 = arith.addf %add3A_613, %add3A_614 : vector<128x1xf32>
    %logistic3A_616 = arith.negf %add3A_615 : vector<128x1xf32>
    %logistic3A_617 = math.exp %logistic3A_616 : vector<128x1xf32>
    %logistic3A_618 = arith.constant 1.000000e+00 : f32
    %logistic3A_619 = vector.broadcast %logistic3A_618 : f32 to vector<128x1xf32>
    %logistic3A_620 = arith.addf %logistic3A_619, %logistic3A_617 : vector<128x1xf32>
    %logistic3A_621 = arith.divf %logistic3A_619, %logistic3A_620 : vector<128x1xf32>
    %swap3A_622 = arith.constant 1152 : index
    %swap3A_623 = arith.constant 0 : index
    %swap3A_624 = vector.load %arg13[%swap3A_622, %swap3A_623] : memref<2048x1xf32, #tpu.memory_space<vmem>>, vector<128x1xf32>
    tpu.vector_store %arg13[%swap3A_622, %swap3A_623], %logistic3A_621 {strides = array<i32>} : memref<2048x1xf32, #tpu.memory_space<vmem>>, vector<128x1xf32>,
    %add3A_625 = arith.constant 1152 : i32
    %add3A_626 = arith.addi %mul3A_74, %add3A_625 : i32
    %add3A_627 = vector.broadcast %add3A_626 : i32 to vector<128x1xi32>
    %add3A_628 = arith.addi %iota3A, %add3A_627 : vector<128x1xi32>
    %lt3A_629 = arith.constant 10000 : i32
    %lt3A_630 = vector.broadcast %lt3A_629 : i32 to vector<128x1xi32>
    %lt3A_631 = arith.cmpi slt, %add3A_628, %lt3A_630 : vector<128x1xi32>
    %jit3A_632 = arith.constant 0.000000e+00 : f32
    %broadcast_in_dim3A_633 = vector.shape_cast %lt3A_631 : vector<128x1xi1> to vector<128x1xi1>
    %broadcast_in_dim3A_634 = vector.broadcast %broadcast_in_dim3A_633 : vector<128x1xi1> to vector<128x128xi1>
    %broadcast_in_dim3A_635 = vector.broadcast %jit3A_632 : f32 to vector<128x128xf32>
    %select_n3A_636 = arith.select %broadcast_in_dim3A_634, %max3A_605, %broadcast_in_dim3A_635 : vector<128x128xi1>, vector<128x128xf32>
    %reduce_max3A_637 = arith.constant dense<0xFF800000> : vector<128xf32>
    %reduce_max3A_638 = vector.multi_reduction <maximumf>, %select_n3A_636, %reduce_max3A_637 [0] : vector<128x128xf32> to vector<128xf32>
    %broadcast_in_dim3A_639 = vector.shape_cast %reduce_max3A_638 : vector<128xf32> to vector<1x128xf32>
    %reduce_sum3A_640 = arith.constant dense<0.000000e+00> : vector<128xf32>
    %reduce_sum3A_641 = vector.multi_reduction <add>, %select_n3A_636, %reduce_sum3A_640 [0] : vector<128x128xf32> to vector<128xf32>
    %broadcast_in_dim3A_642 = vector.shape_cast %reduce_sum3A_641 : vector<128xf32> to vector<1x128xf32>
    %max3A_643 = arith.maximumf %max3A_585, %broadcast_in_dim3A_639 : vector<1x128xf32>
    %add3A_644 = arith.addf %add3A_586, %broadcast_in_dim3A_642 : vector<1x128xf32>
    %slice3A_645 = vector.extract_strided_slice %transpose3A {offsets = [0, 10], sizes = [128, 1], strides = [1, 1]} : vector<128x16xf32> to vector<128x1xf32>
    %slice3A_646 = vector.extract_strided_slice %transpose3A_69 {offsets = [0, 10], sizes = [128, 1], strides = [1, 1]} : vector<128x16xf32> to vector<128x1xf32>
    %slice3A_647 = vector.extract_strided_slice %transpose3A_73 {offsets = [0, 10], sizes = [128, 1], strides = [1, 1]} : vector<128x16xf32> to vector<128x1xf32>
    %mul3A_648 = vector.broadcast %slice3A_647 : vector<128x1xf32> to vector<128x128xf32>
    %mul3A_649 = vector.broadcast %dot_general3A_8 : vector<1x128xf32> to vector<128x128xf32>
    %mul3A_650 = arith.mulf %mul3A_648, %mul3A_649 : vector<128x128xf32>
    %mul3A_651 = vector.broadcast %slice3A_645 : vector<128x1xf32> to vector<128x128xf32>
    %mul3A_652 = vector.broadcast %dot_general3A_13 : vector<1x128xf32> to vector<128x128xf32>
    %mul3A_653 = arith.mulf %mul3A_651, %mul3A_652 : vector<128x128xf32>
    %add3A_654 = arith.addf %mul3A_650, %mul3A_653 : vector<128x128xf32>
    %mul3A_655 = vector.broadcast %slice3A_646 : vector<128x1xf32> to vector<128x128xf32>
    %mul3A_656 = vector.broadcast %dot_general3A_26 : vector<1x128xf32> to vector<128x128xf32>
    %mul3A_657 = arith.mulf %mul3A_655, %mul3A_656 : vector<128x128xf32>
    %add3A_658 = arith.addf %add3A_654, %mul3A_657 : vector<128x128xf32>
    %add3A_659 = vector.broadcast %add3A : vector<1x128xf32> to vector<128x128xf32>
    %add3A_660 = arith.addf %add3A_658, %add3A_659 : vector<128x128xf32>
    %max3A_661 = arith.constant 0.000000e+00 : f32
    %max3A_662 = vector.broadcast %max3A_661 : f32 to vector<128x128xf32>
    %max3A_663 = arith.maximumf %add3A_660, %max3A_662 : vector<128x128xf32>
    %swap3A_664 = arith.constant 1280 : index
    %swap3A_665 = arith.constant 0 : index
    %swap3A_666 = vector.load %arg14[%swap3A_664, %swap3A_665] : memref<2048x128xf32, #tpu.memory_space<vmem>>, vector<128x128xf32>
    tpu.vector_store %arg14[%swap3A_664, %swap3A_665], %max3A_663 {strides = array<i32>} : memref<2048x128xf32, #tpu.memory_space<vmem>>, vector<128x128xf32>,
    %dot_general3A_667 = arith.constant dense<0.000000e+00> : vector<128x1xf32>
    %dot_general3A_668 = tpu.matmul %max3A_663, %slice3A, %dot_general3A_667 {dimension_numbers = #tpu.dot_dimension_numbers<[1], [0], [0], [1], [0, 0, 1, 1], [], []>, transpose_lhs_hint = false} : vector<128x128xf32>, vector<128x1xf32>, vector<128x1xf32> -> vector<128x1xf32>
    %mul3A_669 = vector.broadcast %squeeze3A : f32 to vector<128x1xf32>
    %mul3A_670 = arith.mulf %slice3A_647, %mul3A_669 : vector<128x1xf32>
    %add3A_671 = arith.addf %dot_general3A_668, %mul3A_670 : vector<128x1xf32>
    %add3A_672 = vector.broadcast %add3A_41 : f32 to vector<128x1xf32>
    %add3A_673 = arith.addf %add3A_671, %add3A_672 : vector<128x1xf32>
    %logistic3A_674 = arith.negf %add3A_673 : vector<128x1xf32>
    %logistic3A_675 = math.exp %logistic3A_674 : vector<128x1xf32>
    %logistic3A_676 = arith.constant 1.000000e+00 : f32
    %logistic3A_677 = vector.broadcast %logistic3A_676 : f32 to vector<128x1xf32>
    %logistic3A_678 = arith.addf %logistic3A_677, %logistic3A_675 : vector<128x1xf32>
    %logistic3A_679 = arith.divf %logistic3A_677, %logistic3A_678 : vector<128x1xf32>
    %swap3A_680 = arith.constant 1280 : index
    %swap3A_681 = arith.constant 0 : index
    %swap3A_682 = vector.load %arg13[%swap3A_680, %swap3A_681] : memref<2048x1xf32, #tpu.memory_space<vmem>>, vector<128x1xf32>
    tpu.vector_store %arg13[%swap3A_680, %swap3A_681], %logistic3A_679 {strides = array<i32>} : memref<2048x1xf32, #tpu.memory_space<vmem>>, vector<128x1xf32>,
    %add3A_683 = arith.constant 1280 : i32
    %add3A_684 = arith.addi %mul3A_74, %add3A_683 : i32
    %add3A_685 = vector.broadcast %add3A_684 : i32 to vector<128x1xi32>
    %add3A_686 = arith.addi %iota3A, %add3A_685 : vector<128x1xi32>
    %lt3A_687 = arith.constant 10000 : i32
    %lt3A_688 = vector.broadcast %lt3A_687 : i32 to vector<128x1xi32>
    %lt3A_689 = arith.cmpi slt, %add3A_686, %lt3A_688 : vector<128x1xi32>
    %jit3A_690 = arith.constant 0.000000e+00 : f32
    %broadcast_in_dim3A_691 = vector.shape_cast %lt3A_689 : vector<128x1xi1> to vector<128x1xi1>
    %broadcast_in_dim3A_692 = vector.broadcast %broadcast_in_dim3A_691 : vector<128x1xi1> to vector<128x128xi1>
    %broadcast_in_dim3A_693 = vector.broadcast %jit3A_690 : f32 to vector<128x128xf32>
    %select_n3A_694 = arith.select %broadcast_in_dim3A_692, %max3A_663, %broadcast_in_dim3A_693 : vector<128x128xi1>, vector<128x128xf32>
    %reduce_max3A_695 = arith.constant dense<0xFF800000> : vector<128xf32>
    %reduce_max3A_696 = vector.multi_reduction <maximumf>, %select_n3A_694, %reduce_max3A_695 [0] : vector<128x128xf32> to vector<128xf32>
    %broadcast_in_dim3A_697 = vector.shape_cast %reduce_max3A_696 : vector<128xf32> to vector<1x128xf32>
    %reduce_sum3A_698 = arith.constant dense<0.000000e+00> : vector<128xf32>
    %reduce_sum3A_699 = vector.multi_reduction <add>, %select_n3A_694, %reduce_sum3A_698 [0] : vector<128x128xf32> to vector<128xf32>
    %broadcast_in_dim3A_700 = vector.shape_cast %reduce_sum3A_699 : vector<128xf32> to vector<1x128xf32>
    %max3A_701 = arith.maximumf %max3A_643, %broadcast_in_dim3A_697 : vector<1x128xf32>
    %add3A_702 = arith.addf %add3A_644, %broadcast_in_dim3A_700 : vector<1x128xf32>
    %slice3A_703 = vector.extract_strided_slice %transpose3A {offsets = [0, 11], sizes = [128, 1], strides = [1, 1]} : vector<128x16xf32> to vector<128x1xf32>
    %slice3A_704 = vector.extract_strided_slice %transpose3A_69 {offsets = [0, 11], sizes = [128, 1], strides = [1, 1]} : vector<128x16xf32> to vector<128x1xf32>
    %slice3A_705 = vector.extract_strided_slice %transpose3A_73 {offsets = [0, 11], sizes = [128, 1], strides = [1, 1]} : vector<128x16xf32> to vector<128x1xf32>
    %mul3A_706 = vector.broadcast %slice3A_705 : vector<128x1xf32> to vector<128x128xf32>
    %mul3A_707 = vector.broadcast %dot_general3A_8 : vector<1x128xf32> to vector<128x128xf32>
    %mul3A_708 = arith.mulf %mul3A_706, %mul3A_707 : vector<128x128xf32>
    %mul3A_709 = vector.broadcast %slice3A_703 : vector<128x1xf32> to vector<128x128xf32>
    %mul3A_710 = vector.broadcast %dot_general3A_13 : vector<1x128xf32> to vector<128x128xf32>
    %mul3A_711 = arith.mulf %mul3A_709, %mul3A_710 : vector<128x128xf32>
    %add3A_712 = arith.addf %mul3A_708, %mul3A_711 : vector<128x128xf32>
    %mul3A_713 = vector.broadcast %slice3A_704 : vector<128x1xf32> to vector<128x128xf32>
    %mul3A_714 = vector.broadcast %dot_general3A_26 : vector<1x128xf32> to vector<128x128xf32>
    %mul3A_715 = arith.mulf %mul3A_713, %mul3A_714 : vector<128x128xf32>
    %add3A_716 = arith.addf %add3A_712, %mul3A_715 : vector<128x128xf32>
    %add3A_717 = vector.broadcast %add3A : vector<1x128xf32> to vector<128x128xf32>
    %add3A_718 = arith.addf %add3A_716, %add3A_717 : vector<128x128xf32>
    %max3A_719 = arith.constant 0.000000e+00 : f32
    %max3A_720 = vector.broadcast %max3A_719 : f32 to vector<128x128xf32>
    %max3A_721 = arith.maximumf %add3A_718, %max3A_720 : vector<128x128xf32>
    %swap3A_722 = arith.constant 1408 : index
    %swap3A_723 = arith.constant 0 : index
    %swap3A_724 = vector.load %arg14[%swap3A_722, %swap3A_723] : memref<2048x128xf32, #tpu.memory_space<vmem>>, vector<128x128xf32>
    tpu.vector_store %arg14[%swap3A_722, %swap3A_723], %max3A_721 {strides = array<i32>} : memref<2048x128xf32, #tpu.memory_space<vmem>>, vector<128x128xf32>,
    %dot_general3A_725 = arith.constant dense<0.000000e+00> : vector<128x1xf32>
    %dot_general3A_726 = tpu.matmul %max3A_721, %slice3A, %dot_general3A_725 {dimension_numbers = #tpu.dot_dimension_numbers<[1], [0], [0], [1], [0, 0, 1, 1], [], []>, transpose_lhs_hint = false} : vector<128x128xf32>, vector<128x1xf32>, vector<128x1xf32> -> vector<128x1xf32>
    %mul3A_727 = vector.broadcast %squeeze3A : f32 to vector<128x1xf32>
    %mul3A_728 = arith.mulf %slice3A_705, %mul3A_727 : vector<128x1xf32>
    %add3A_729 = arith.addf %dot_general3A_726, %mul3A_728 : vector<128x1xf32>
    %add3A_730 = vector.broadcast %add3A_41 : f32 to vector<128x1xf32>
    %add3A_731 = arith.addf %add3A_729, %add3A_730 : vector<128x1xf32>
    %logistic3A_732 = arith.negf %add3A_731 : vector<128x1xf32>
    %logistic3A_733 = math.exp %logistic3A_732 : vector<128x1xf32>
    %logistic3A_734 = arith.constant 1.000000e+00 : f32
    %logistic3A_735 = vector.broadcast %logistic3A_734 : f32 to vector<128x1xf32>
    %logistic3A_736 = arith.addf %logistic3A_735, %logistic3A_733 : vector<128x1xf32>
    %logistic3A_737 = arith.divf %logistic3A_735, %logistic3A_736 : vector<128x1xf32>
    %swap3A_738 = arith.constant 1408 : index
    %swap3A_739 = arith.constant 0 : index
    %swap3A_740 = vector.load %arg13[%swap3A_738, %swap3A_739] : memref<2048x1xf32, #tpu.memory_space<vmem>>, vector<128x1xf32>
    tpu.vector_store %arg13[%swap3A_738, %swap3A_739], %logistic3A_737 {strides = array<i32>} : memref<2048x1xf32, #tpu.memory_space<vmem>>, vector<128x1xf32>,
    %add3A_741 = arith.constant 1408 : i32
    %add3A_742 = arith.addi %mul3A_74, %add3A_741 : i32
    %add3A_743 = vector.broadcast %add3A_742 : i32 to vector<128x1xi32>
    %add3A_744 = arith.addi %iota3A, %add3A_743 : vector<128x1xi32>
    %lt3A_745 = arith.constant 10000 : i32
    %lt3A_746 = vector.broadcast %lt3A_745 : i32 to vector<128x1xi32>
    %lt3A_747 = arith.cmpi slt, %add3A_744, %lt3A_746 : vector<128x1xi32>
    %jit3A_748 = arith.constant 0.000000e+00 : f32
    %broadcast_in_dim3A_749 = vector.shape_cast %lt3A_747 : vector<128x1xi1> to vector<128x1xi1>
    %broadcast_in_dim3A_750 = vector.broadcast %broadcast_in_dim3A_749 : vector<128x1xi1> to vector<128x128xi1>
    %broadcast_in_dim3A_751 = vector.broadcast %jit3A_748 : f32 to vector<128x128xf32>
    %select_n3A_752 = arith.select %broadcast_in_dim3A_750, %max3A_721, %broadcast_in_dim3A_751 : vector<128x128xi1>, vector<128x128xf32>
    %reduce_max3A_753 = arith.constant dense<0xFF800000> : vector<128xf32>
    %reduce_max3A_754 = vector.multi_reduction <maximumf>, %select_n3A_752, %reduce_max3A_753 [0] : vector<128x128xf32> to vector<128xf32>
    %broadcast_in_dim3A_755 = vector.shape_cast %reduce_max3A_754 : vector<128xf32> to vector<1x128xf32>
    %reduce_sum3A_756 = arith.constant dense<0.000000e+00> : vector<128xf32>
    %reduce_sum3A_757 = vector.multi_reduction <add>, %select_n3A_752, %reduce_sum3A_756 [0] : vector<128x128xf32> to vector<128xf32>
    %broadcast_in_dim3A_758 = vector.shape_cast %reduce_sum3A_757 : vector<128xf32> to vector<1x128xf32>
    %max3A_759 = arith.maximumf %max3A_701, %broadcast_in_dim3A_755 : vector<1x128xf32>
    %add3A_760 = arith.addf %add3A_702, %broadcast_in_dim3A_758 : vector<1x128xf32>
    %slice3A_761 = vector.extract_strided_slice %transpose3A {offsets = [0, 12], sizes = [128, 1], strides = [1, 1]} : vector<128x16xf32> to vector<128x1xf32>
    %slice3A_762 = vector.extract_strided_slice %transpose3A_69 {offsets = [0, 12], sizes = [128, 1], strides = [1, 1]} : vector<128x16xf32> to vector<128x1xf32>
    %slice3A_763 = vector.extract_strided_slice %transpose3A_73 {offsets = [0, 12], sizes = [128, 1], strides = [1, 1]} : vector<128x16xf32> to vector<128x1xf32>
    %mul3A_764 = vector.broadcast %slice3A_763 : vector<128x1xf32> to vector<128x128xf32>
    %mul3A_765 = vector.broadcast %dot_general3A_8 : vector<1x128xf32> to vector<128x128xf32>
    %mul3A_766 = arith.mulf %mul3A_764, %mul3A_765 : vector<128x128xf32>
    %mul3A_767 = vector.broadcast %slice3A_761 : vector<128x1xf32> to vector<128x128xf32>
    %mul3A_768 = vector.broadcast %dot_general3A_13 : vector<1x128xf32> to vector<128x128xf32>
    %mul3A_769 = arith.mulf %mul3A_767, %mul3A_768 : vector<128x128xf32>
    %add3A_770 = arith.addf %mul3A_766, %mul3A_769 : vector<128x128xf32>
    %mul3A_771 = vector.broadcast %slice3A_762 : vector<128x1xf32> to vector<128x128xf32>
    %mul3A_772 = vector.broadcast %dot_general3A_26 : vector<1x128xf32> to vector<128x128xf32>
    %mul3A_773 = arith.mulf %mul3A_771, %mul3A_772 : vector<128x128xf32>
    %add3A_774 = arith.addf %add3A_770, %mul3A_773 : vector<128x128xf32>
    %add3A_775 = vector.broadcast %add3A : vector<1x128xf32> to vector<128x128xf32>
    %add3A_776 = arith.addf %add3A_774, %add3A_775 : vector<128x128xf32>
    %max3A_777 = arith.constant 0.000000e+00 : f32
    %max3A_778 = vector.broadcast %max3A_777 : f32 to vector<128x128xf32>
    %max3A_779 = arith.maximumf %add3A_776, %max3A_778 : vector<128x128xf32>
    %swap3A_780 = arith.constant 1536 : index
    %swap3A_781 = arith.constant 0 : index
    %swap3A_782 = vector.load %arg14[%swap3A_780, %swap3A_781] : memref<2048x128xf32, #tpu.memory_space<vmem>>, vector<128x128xf32>
    tpu.vector_store %arg14[%swap3A_780, %swap3A_781], %max3A_779 {strides = array<i32>} : memref<2048x128xf32, #tpu.memory_space<vmem>>, vector<128x128xf32>,
    %dot_general3A_783 = arith.constant dense<0.000000e+00> : vector<128x1xf32>
    %dot_general3A_784 = tpu.matmul %max3A_779, %slice3A, %dot_general3A_783 {dimension_numbers = #tpu.dot_dimension_numbers<[1], [0], [0], [1], [0, 0, 1, 1], [], []>, transpose_lhs_hint = false} : vector<128x128xf32>, vector<128x1xf32>, vector<128x1xf32> -> vector<128x1xf32>
    %mul3A_785 = vector.broadcast %squeeze3A : f32 to vector<128x1xf32>
    %mul3A_786 = arith.mulf %slice3A_763, %mul3A_785 : vector<128x1xf32>
    %add3A_787 = arith.addf %dot_general3A_784, %mul3A_786 : vector<128x1xf32>
    %add3A_788 = vector.broadcast %add3A_41 : f32 to vector<128x1xf32>
    %add3A_789 = arith.addf %add3A_787, %add3A_788 : vector<128x1xf32>
    %logistic3A_790 = arith.negf %add3A_789 : vector<128x1xf32>
    %logistic3A_791 = math.exp %logistic3A_790 : vector<128x1xf32>
    %logistic3A_792 = arith.constant 1.000000e+00 : f32
    %logistic3A_793 = vector.broadcast %logistic3A_792 : f32 to vector<128x1xf32>
    %logistic3A_794 = arith.addf %logistic3A_793, %logistic3A_791 : vector<128x1xf32>
    %logistic3A_795 = arith.divf %logistic3A_793, %logistic3A_794 : vector<128x1xf32>
    %swap3A_796 = arith.constant 1536 : index
    %swap3A_797 = arith.constant 0 : index
    %swap3A_798 = vector.load %arg13[%swap3A_796, %swap3A_797] : memref<2048x1xf32, #tpu.memory_space<vmem>>, vector<128x1xf32>
    tpu.vector_store %arg13[%swap3A_796, %swap3A_797], %logistic3A_795 {strides = array<i32>} : memref<2048x1xf32, #tpu.memory_space<vmem>>, vector<128x1xf32>,
    %add3A_799 = arith.constant 1536 : i32
    %add3A_800 = arith.addi %mul3A_74, %add3A_799 : i32
    %add3A_801 = vector.broadcast %add3A_800 : i32 to vector<128x1xi32>
    %add3A_802 = arith.addi %iota3A, %add3A_801 : vector<128x1xi32>
    %lt3A_803 = arith.constant 10000 : i32
    %lt3A_804 = vector.broadcast %lt3A_803 : i32 to vector<128x1xi32>
    %lt3A_805 = arith.cmpi slt, %add3A_802, %lt3A_804 : vector<128x1xi32>
    %jit3A_806 = arith.constant 0.000000e+00 : f32
    %broadcast_in_dim3A_807 = vector.shape_cast %lt3A_805 : vector<128x1xi1> to vector<128x1xi1>
    %broadcast_in_dim3A_808 = vector.broadcast %broadcast_in_dim3A_807 : vector<128x1xi1> to vector<128x128xi1>
    %broadcast_in_dim3A_809 = vector.broadcast %jit3A_806 : f32 to vector<128x128xf32>
    %select_n3A_810 = arith.select %broadcast_in_dim3A_808, %max3A_779, %broadcast_in_dim3A_809 : vector<128x128xi1>, vector<128x128xf32>
    %reduce_max3A_811 = arith.constant dense<0xFF800000> : vector<128xf32>
    %reduce_max3A_812 = vector.multi_reduction <maximumf>, %select_n3A_810, %reduce_max3A_811 [0] : vector<128x128xf32> to vector<128xf32>
    %broadcast_in_dim3A_813 = vector.shape_cast %reduce_max3A_812 : vector<128xf32> to vector<1x128xf32>
    %reduce_sum3A_814 = arith.constant dense<0.000000e+00> : vector<128xf32>
    %reduce_sum3A_815 = vector.multi_reduction <add>, %select_n3A_810, %reduce_sum3A_814 [0] : vector<128x128xf32> to vector<128xf32>
    %broadcast_in_dim3A_816 = vector.shape_cast %reduce_sum3A_815 : vector<128xf32> to vector<1x128xf32>
    %max3A_817 = arith.maximumf %max3A_759, %broadcast_in_dim3A_813 : vector<1x128xf32>
    %add3A_818 = arith.addf %add3A_760, %broadcast_in_dim3A_816 : vector<1x128xf32>
    %slice3A_819 = vector.extract_strided_slice %transpose3A {offsets = [0, 13], sizes = [128, 1], strides = [1, 1]} : vector<128x16xf32> to vector<128x1xf32>
    %slice3A_820 = vector.extract_strided_slice %transpose3A_69 {offsets = [0, 13], sizes = [128, 1], strides = [1, 1]} : vector<128x16xf32> to vector<128x1xf32>
    %slice3A_821 = vector.extract_strided_slice %transpose3A_73 {offsets = [0, 13], sizes = [128, 1], strides = [1, 1]} : vector<128x16xf32> to vector<128x1xf32>
    %mul3A_822 = vector.broadcast %slice3A_821 : vector<128x1xf32> to vector<128x128xf32>
    %mul3A_823 = vector.broadcast %dot_general3A_8 : vector<1x128xf32> to vector<128x128xf32>
    %mul3A_824 = arith.mulf %mul3A_822, %mul3A_823 : vector<128x128xf32>
    %mul3A_825 = vector.broadcast %slice3A_819 : vector<128x1xf32> to vector<128x128xf32>
    %mul3A_826 = vector.broadcast %dot_general3A_13 : vector<1x128xf32> to vector<128x128xf32>
    %mul3A_827 = arith.mulf %mul3A_825, %mul3A_826 : vector<128x128xf32>
    %add3A_828 = arith.addf %mul3A_824, %mul3A_827 : vector<128x128xf32>
    %mul3A_829 = vector.broadcast %slice3A_820 : vector<128x1xf32> to vector<128x128xf32>
    %mul3A_830 = vector.broadcast %dot_general3A_26 : vector<1x128xf32> to vector<128x128xf32>
    %mul3A_831 = arith.mulf %mul3A_829, %mul3A_830 : vector<128x128xf32>
    %add3A_832 = arith.addf %add3A_828, %mul3A_831 : vector<128x128xf32>
    %add3A_833 = vector.broadcast %add3A : vector<1x128xf32> to vector<128x128xf32>
    %add3A_834 = arith.addf %add3A_832, %add3A_833 : vector<128x128xf32>
    %max3A_835 = arith.constant 0.000000e+00 : f32
    %max3A_836 = vector.broadcast %max3A_835 : f32 to vector<128x128xf32>
    %max3A_837 = arith.maximumf %add3A_834, %max3A_836 : vector<128x128xf32>
    %swap3A_838 = arith.constant 1664 : index
    %swap3A_839 = arith.constant 0 : index
    %swap3A_840 = vector.load %arg14[%swap3A_838, %swap3A_839] : memref<2048x128xf32, #tpu.memory_space<vmem>>, vector<128x128xf32>
    tpu.vector_store %arg14[%swap3A_838, %swap3A_839], %max3A_837 {strides = array<i32>} : memref<2048x128xf32, #tpu.memory_space<vmem>>, vector<128x128xf32>,
    %dot_general3A_841 = arith.constant dense<0.000000e+00> : vector<128x1xf32>
    %dot_general3A_842 = tpu.matmul %max3A_837, %slice3A, %dot_general3A_841 {dimension_numbers = #tpu.dot_dimension_numbers<[1], [0], [0], [1], [0, 0, 1, 1], [], []>, transpose_lhs_hint = false} : vector<128x128xf32>, vector<128x1xf32>, vector<128x1xf32> -> vector<128x1xf32>
    %mul3A_843 = vector.broadcast %squeeze3A : f32 to vector<128x1xf32>
    %mul3A_844 = arith.mulf %slice3A_821, %mul3A_843 : vector<128x1xf32>
    %add3A_845 = arith.addf %dot_general3A_842, %mul3A_844 : vector<128x1xf32>
    %add3A_846 = vector.broadcast %add3A_41 : f32 to vector<128x1xf32>
    %add3A_847 = arith.addf %add3A_845, %add3A_846 : vector<128x1xf32>
    %logistic3A_848 = arith.negf %add3A_847 : vector<128x1xf32>
    %logistic3A_849 = math.exp %logistic3A_848 : vector<128x1xf32>
    %logistic3A_850 = arith.constant 1.000000e+00 : f32
    %logistic3A_851 = vector.broadcast %logistic3A_850 : f32 to vector<128x1xf32>
    %logistic3A_852 = arith.addf %logistic3A_851, %logistic3A_849 : vector<128x1xf32>
    %logistic3A_853 = arith.divf %logistic3A_851, %logistic3A_852 : vector<128x1xf32>
    %swap3A_854 = arith.constant 1664 : index
    %swap3A_855 = arith.constant 0 : index
    %swap3A_856 = vector.load %arg13[%swap3A_854, %swap3A_855] : memref<2048x1xf32, #tpu.memory_space<vmem>>, vector<128x1xf32>
    tpu.vector_store %arg13[%swap3A_854, %swap3A_855], %logistic3A_853 {strides = array<i32>} : memref<2048x1xf32, #tpu.memory_space<vmem>>, vector<128x1xf32>,
    %add3A_857 = arith.constant 1664 : i32
    %add3A_858 = arith.addi %mul3A_74, %add3A_857 : i32
    %add3A_859 = vector.broadcast %add3A_858 : i32 to vector<128x1xi32>
    %add3A_860 = arith.addi %iota3A, %add3A_859 : vector<128x1xi32>
    %lt3A_861 = arith.constant 10000 : i32
    %lt3A_862 = vector.broadcast %lt3A_861 : i32 to vector<128x1xi32>
    %lt3A_863 = arith.cmpi slt, %add3A_860, %lt3A_862 : vector<128x1xi32>
    %jit3A_864 = arith.constant 0.000000e+00 : f32
    %broadcast_in_dim3A_865 = vector.shape_cast %lt3A_863 : vector<128x1xi1> to vector<128x1xi1>
    %broadcast_in_dim3A_866 = vector.broadcast %broadcast_in_dim3A_865 : vector<128x1xi1> to vector<128x128xi1>
    %broadcast_in_dim3A_867 = vector.broadcast %jit3A_864 : f32 to vector<128x128xf32>
    %select_n3A_868 = arith.select %broadcast_in_dim3A_866, %max3A_837, %broadcast_in_dim3A_867 : vector<128x128xi1>, vector<128x128xf32>
    %reduce_max3A_869 = arith.constant dense<0xFF800000> : vector<128xf32>
    %reduce_max3A_870 = vector.multi_reduction <maximumf>, %select_n3A_868, %reduce_max3A_869 [0] : vector<128x128xf32> to vector<128xf32>
    %broadcast_in_dim3A_871 = vector.shape_cast %reduce_max3A_870 : vector<128xf32> to vector<1x128xf32>
    %reduce_sum3A_872 = arith.constant dense<0.000000e+00> : vector<128xf32>
    %reduce_sum3A_873 = vector.multi_reduction <add>, %select_n3A_868, %reduce_sum3A_872 [0] : vector<128x128xf32> to vector<128xf32>
    %broadcast_in_dim3A_874 = vector.shape_cast %reduce_sum3A_873 : vector<128xf32> to vector<1x128xf32>
    %max3A_875 = arith.maximumf %max3A_817, %broadcast_in_dim3A_871 : vector<1x128xf32>
    %add3A_876 = arith.addf %add3A_818, %broadcast_in_dim3A_874 : vector<1x128xf32>
    %slice3A_877 = vector.extract_strided_slice %transpose3A {offsets = [0, 14], sizes = [128, 1], strides = [1, 1]} : vector<128x16xf32> to vector<128x1xf32>
    %slice3A_878 = vector.extract_strided_slice %transpose3A_69 {offsets = [0, 14], sizes = [128, 1], strides = [1, 1]} : vector<128x16xf32> to vector<128x1xf32>
    %slice3A_879 = vector.extract_strided_slice %transpose3A_73 {offsets = [0, 14], sizes = [128, 1], strides = [1, 1]} : vector<128x16xf32> to vector<128x1xf32>
    %mul3A_880 = vector.broadcast %slice3A_879 : vector<128x1xf32> to vector<128x128xf32>
    %mul3A_881 = vector.broadcast %dot_general3A_8 : vector<1x128xf32> to vector<128x128xf32>
    %mul3A_882 = arith.mulf %mul3A_880, %mul3A_881 : vector<128x128xf32>
    %mul3A_883 = vector.broadcast %slice3A_877 : vector<128x1xf32> to vector<128x128xf32>
    %mul3A_884 = vector.broadcast %dot_general3A_13 : vector<1x128xf32> to vector<128x128xf32>
    %mul3A_885 = arith.mulf %mul3A_883, %mul3A_884 : vector<128x128xf32>
    %add3A_886 = arith.addf %mul3A_882, %mul3A_885 : vector<128x128xf32>
    %mul3A_887 = vector.broadcast %slice3A_878 : vector<128x1xf32> to vector<128x128xf32>
    %mul3A_888 = vector.broadcast %dot_general3A_26 : vector<1x128xf32> to vector<128x128xf32>
    %mul3A_889 = arith.mulf %mul3A_887, %mul3A_888 : vector<128x128xf32>
    %add3A_890 = arith.addf %add3A_886, %mul3A_889 : vector<128x128xf32>
    %add3A_891 = vector.broadcast %add3A : vector<1x128xf32> to vector<128x128xf32>
    %add3A_892 = arith.addf %add3A_890, %add3A_891 : vector<128x128xf32>
    %max3A_893 = arith.constant 0.000000e+00 : f32
    %max3A_894 = vector.broadcast %max3A_893 : f32 to vector<128x128xf32>
    %max3A_895 = arith.maximumf %add3A_892, %max3A_894 : vector<128x128xf32>
    %swap3A_896 = arith.constant 1792 : index
    %swap3A_897 = arith.constant 0 : index
    %swap3A_898 = vector.load %arg14[%swap3A_896, %swap3A_897] : memref<2048x128xf32, #tpu.memory_space<vmem>>, vector<128x128xf32>
    tpu.vector_store %arg14[%swap3A_896, %swap3A_897], %max3A_895 {strides = array<i32>} : memref<2048x128xf32, #tpu.memory_space<vmem>>, vector<128x128xf32>,
    %dot_general3A_899 = arith.constant dense<0.000000e+00> : vector<128x1xf32>
    %dot_general3A_900 = tpu.matmul %max3A_895, %slice3A, %dot_general3A_899 {dimension_numbers = #tpu.dot_dimension_numbers<[1], [0], [0], [1], [0, 0, 1, 1], [], []>, transpose_lhs_hint = false} : vector<128x128xf32>, vector<128x1xf32>, vector<128x1xf32> -> vector<128x1xf32>
    %mul3A_901 = vector.broadcast %squeeze3A : f32 to vector<128x1xf32>
    %mul3A_902 = arith.mulf %slice3A_879, %mul3A_901 : vector<128x1xf32>
    %add3A_903 = arith.addf %dot_general3A_900, %mul3A_902 : vector<128x1xf32>
    %add3A_904 = vector.broadcast %add3A_41 : f32 to vector<128x1xf32>
    %add3A_905 = arith.addf %add3A_903, %add3A_904 : vector<128x1xf32>
    %logistic3A_906 = arith.negf %add3A_905 : vector<128x1xf32>
    %logistic3A_907 = math.exp %logistic3A_906 : vector<128x1xf32>
    %logistic3A_908 = arith.constant 1.000000e+00 : f32
    %logistic3A_909 = vector.broadcast %logistic3A_908 : f32 to vector<128x1xf32>
    %logistic3A_910 = arith.addf %logistic3A_909, %logistic3A_907 : vector<128x1xf32>
    %logistic3A_911 = arith.divf %logistic3A_909, %logistic3A_910 : vector<128x1xf32>
    %swap3A_912 = arith.constant 1792 : index
    %swap3A_913 = arith.constant 0 : index
    %swap3A_914 = vector.load %arg13[%swap3A_912, %swap3A_913] : memref<2048x1xf32, #tpu.memory_space<vmem>>, vector<128x1xf32>
    tpu.vector_store %arg13[%swap3A_912, %swap3A_913], %logistic3A_911 {strides = array<i32>} : memref<2048x1xf32, #tpu.memory_space<vmem>>, vector<128x1xf32>,
    %add3A_915 = arith.constant 1792 : i32
    %add3A_916 = arith.addi %mul3A_74, %add3A_915 : i32
    %add3A_917 = vector.broadcast %add3A_916 : i32 to vector<128x1xi32>
    %add3A_918 = arith.addi %iota3A, %add3A_917 : vector<128x1xi32>
    %lt3A_919 = arith.constant 10000 : i32
    %lt3A_920 = vector.broadcast %lt3A_919 : i32 to vector<128x1xi32>
    %lt3A_921 = arith.cmpi slt, %add3A_918, %lt3A_920 : vector<128x1xi32>
    %jit3A_922 = arith.constant 0.000000e+00 : f32
    %broadcast_in_dim3A_923 = vector.shape_cast %lt3A_921 : vector<128x1xi1> to vector<128x1xi1>
    %broadcast_in_dim3A_924 = vector.broadcast %broadcast_in_dim3A_923 : vector<128x1xi1> to vector<128x128xi1>
    %broadcast_in_dim3A_925 = vector.broadcast %jit3A_922 : f32 to vector<128x128xf32>
    %select_n3A_926 = arith.select %broadcast_in_dim3A_924, %max3A_895, %broadcast_in_dim3A_925 : vector<128x128xi1>, vector<128x128xf32>
    %reduce_max3A_927 = arith.constant dense<0xFF800000> : vector<128xf32>
    %reduce_max3A_928 = vector.multi_reduction <maximumf>, %select_n3A_926, %reduce_max3A_927 [0] : vector<128x128xf32> to vector<128xf32>
    %broadcast_in_dim3A_929 = vector.shape_cast %reduce_max3A_928 : vector<128xf32> to vector<1x128xf32>
    %reduce_sum3A_930 = arith.constant dense<0.000000e+00> : vector<128xf32>
    %reduce_sum3A_931 = vector.multi_reduction <add>, %select_n3A_926, %reduce_sum3A_930 [0] : vector<128x128xf32> to vector<128xf32>
    %broadcast_in_dim3A_932 = vector.shape_cast %reduce_sum3A_931 : vector<128xf32> to vector<1x128xf32>
    %max3A_933 = arith.maximumf %max3A_875, %broadcast_in_dim3A_929 : vector<1x128xf32>
    %add3A_934 = arith.addf %add3A_876, %broadcast_in_dim3A_932 : vector<1x128xf32>
    %slice3A_935 = vector.extract_strided_slice %transpose3A {offsets = [0, 15], sizes = [128, 1], strides = [1, 1]} : vector<128x16xf32> to vector<128x1xf32>
    %slice3A_936 = vector.extract_strided_slice %transpose3A_69 {offsets = [0, 15], sizes = [128, 1], strides = [1, 1]} : vector<128x16xf32> to vector<128x1xf32>
    %slice3A_937 = vector.extract_strided_slice %transpose3A_73 {offsets = [0, 15], sizes = [128, 1], strides = [1, 1]} : vector<128x16xf32> to vector<128x1xf32>
    %mul3A_938 = vector.broadcast %slice3A_937 : vector<128x1xf32> to vector<128x128xf32>
    %mul3A_939 = vector.broadcast %dot_general3A_8 : vector<1x128xf32> to vector<128x128xf32>
    %mul3A_940 = arith.mulf %mul3A_938, %mul3A_939 : vector<128x128xf32>
    %mul3A_941 = vector.broadcast %slice3A_935 : vector<128x1xf32> to vector<128x128xf32>
    %mul3A_942 = vector.broadcast %dot_general3A_13 : vector<1x128xf32> to vector<128x128xf32>
    %mul3A_943 = arith.mulf %mul3A_941, %mul3A_942 : vector<128x128xf32>
    %add3A_944 = arith.addf %mul3A_940, %mul3A_943 : vector<128x128xf32>
    %mul3A_945 = vector.broadcast %slice3A_936 : vector<128x1xf32> to vector<128x128xf32>
    %mul3A_946 = vector.broadcast %dot_general3A_26 : vector<1x128xf32> to vector<128x128xf32>
    %mul3A_947 = arith.mulf %mul3A_945, %mul3A_946 : vector<128x128xf32>
    %add3A_948 = arith.addf %add3A_944, %mul3A_947 : vector<128x128xf32>
    %add3A_949 = vector.broadcast %add3A : vector<1x128xf32> to vector<128x128xf32>
    %add3A_950 = arith.addf %add3A_948, %add3A_949 : vector<128x128xf32>
    %max3A_951 = arith.constant 0.000000e+00 : f32
    %max3A_952 = vector.broadcast %max3A_951 : f32 to vector<128x128xf32>
    %max3A_953 = arith.maximumf %add3A_950, %max3A_952 : vector<128x128xf32>
    %swap3A_954 = arith.constant 1920 : index
    %swap3A_955 = arith.constant 0 : index
    %swap3A_956 = vector.load %arg14[%swap3A_954, %swap3A_955] : memref<2048x128xf32, #tpu.memory_space<vmem>>, vector<128x128xf32>
    tpu.vector_store %arg14[%swap3A_954, %swap3A_955], %max3A_953 {strides = array<i32>} : memref<2048x128xf32, #tpu.memory_space<vmem>>, vector<128x128xf32>,
    %dot_general3A_957 = arith.constant dense<0.000000e+00> : vector<128x1xf32>
    %dot_general3A_958 = tpu.matmul %max3A_953, %slice3A, %dot_general3A_957 {dimension_numbers = #tpu.dot_dimension_numbers<[1], [0], [0], [1], [0, 0, 1, 1], [], []>, transpose_lhs_hint = false} : vector<128x128xf32>, vector<128x1xf32>, vector<128x1xf32> -> vector<128x1xf32>
    %mul3A_959 = vector.broadcast %squeeze3A : f32 to vector<128x1xf32>
    %mul3A_960 = arith.mulf %slice3A_937, %mul3A_959 : vector<128x1xf32>
    %add3A_961 = arith.addf %dot_general3A_958, %mul3A_960 : vector<128x1xf32>
    %add3A_962 = vector.broadcast %add3A_41 : f32 to vector<128x1xf32>
    %add3A_963 = arith.addf %add3A_961, %add3A_962 : vector<128x1xf32>
    %logistic3A_964 = arith.negf %add3A_963 : vector<128x1xf32>
    %logistic3A_965 = math.exp %logistic3A_964 : vector<128x1xf32>
    %logistic3A_966 = arith.constant 1.000000e+00 : f32
    %logistic3A_967 = vector.broadcast %logistic3A_966 : f32 to vector<128x1xf32>
    %logistic3A_968 = arith.addf %logistic3A_967, %logistic3A_965 : vector<128x1xf32>
    %logistic3A_969 = arith.divf %logistic3A_967, %logistic3A_968 : vector<128x1xf32>
    %swap3A_970 = arith.constant 1920 : index
    %swap3A_971 = arith.constant 0 : index
    %swap3A_972 = vector.load %arg13[%swap3A_970, %swap3A_971] : memref<2048x1xf32, #tpu.memory_space<vmem>>, vector<128x1xf32>
    tpu.vector_store %arg13[%swap3A_970, %swap3A_971], %logistic3A_969 {strides = array<i32>} : memref<2048x1xf32, #tpu.memory_space<vmem>>, vector<128x1xf32>,
    %add3A_973 = arith.constant 1920 : i32
    %add3A_974 = arith.addi %mul3A_74, %add3A_973 : i32
    %add3A_975 = vector.broadcast %add3A_974 : i32 to vector<128x1xi32>
    %add3A_976 = arith.addi %iota3A, %add3A_975 : vector<128x1xi32>
    %lt3A_977 = arith.constant 10000 : i32
    %lt3A_978 = vector.broadcast %lt3A_977 : i32 to vector<128x1xi32>
    %lt3A_979 = arith.cmpi slt, %add3A_976, %lt3A_978 : vector<128x1xi32>
    %jit3A_980 = arith.constant 0.000000e+00 : f32
    %broadcast_in_dim3A_981 = vector.shape_cast %lt3A_979 : vector<128x1xi1> to vector<128x1xi1>
    %broadcast_in_dim3A_982 = vector.broadcast %broadcast_in_dim3A_981 : vector<128x1xi1> to vector<128x128xi1>
    %broadcast_in_dim3A_983 = vector.broadcast %jit3A_980 : f32 to vector<128x128xf32>
    %select_n3A_984 = arith.select %broadcast_in_dim3A_982, %max3A_953, %broadcast_in_dim3A_983 : vector<128x128xi1>, vector<128x128xf32>
    %reduce_max3A_985 = arith.constant dense<0xFF800000> : vector<128xf32>
    %reduce_max3A_986 = vector.multi_reduction <maximumf>, %select_n3A_984, %reduce_max3A_985 [0] : vector<128x128xf32> to vector<128xf32>
    %broadcast_in_dim3A_987 = vector.shape_cast %reduce_max3A_986 : vector<128xf32> to vector<1x128xf32>
    %reduce_sum3A_988 = arith.constant dense<0.000000e+00> : vector<128xf32>
    %reduce_sum3A_989 = vector.multi_reduction <add>, %select_n3A_984, %reduce_sum3A_988 [0] : vector<128x128xf32> to vector<128xf32>
    %broadcast_in_dim3A_990 = vector.shape_cast %reduce_sum3A_989 : vector<128xf32> to vector<1x128xf32>
    %max3A_991 = arith.maximumf %max3A_933, %broadcast_in_dim3A_987 : vector<1x128xf32>
    %add3A_992 = arith.addf %add3A_934, %broadcast_in_dim3A_990 : vector<1x128xf32>
    %eq3A = arith.constant 0 : i32
    %eq3A_993 = arith.cmpi eq, %arg0, %eq3A : i32
    %convert_element_type3A_994 = arith.extui %eq3A_993 : i1 to i32
    %cond3A = arith.constant 0 : i32
    %cond3A_995 = arith.cmpi ne, %convert_element_type3A_994, %cond3A : i32
    scf.if %cond3A_995 {
      %swap3A_1006 = arith.constant 0 : index
      %swap3A_1007 = arith.constant 0 : index
      %swap3A_1008 = vector.load %arg16[%swap3A_1006, %swap3A_1007] : memref<1x128xf32, #tpu.memory_space<vmem>>, vector<1x128xf32>
      tpu.vector_store %arg16[%swap3A_1006, %swap3A_1007], %max3A_991 {strides = array<i32>} : memref<1x128xf32, #tpu.memory_space<vmem>>, vector<1x128xf32>,
      %swap3A_1009 = arith.constant 0 : index
      %swap3A_1010 = arith.constant 0 : index
      %swap3A_1011 = vector.load %arg17[%swap3A_1009, %swap3A_1010] : memref<1x128xf32, #tpu.memory_space<vmem>>, vector<1x128xf32>
      tpu.vector_store %arg17[%swap3A_1009, %swap3A_1010], %add3A_992 {strides = array<i32>} : memref<1x128xf32, #tpu.memory_space<vmem>>, vector<1x128xf32>,
    } else {
    }
    %gt3A_996 = arith.constant 0 : i32
    %gt3A_997 = arith.cmpi sgt, %arg0, %gt3A_996 : i32
    %convert_element_type3A_998 = arith.extui %gt3A_997 : i1 to i32
    %cond3A_999 = arith.constant 0 : i32
    %cond3A_1000 = arith.cmpi ne, %convert_element_type3A_998, %cond3A_999 : i32
    scf.if %cond3A_1000 {
      %get3A_1006 = arith.constant 0 : index
      %get3A_1007 = arith.constant 0 : index
      %get3A_1008 = vector.load %arg16[%get3A_1006, %get3A_1007] : memref<1x128xf32, #tpu.memory_space<vmem>>, vector<1x128xf32>
      %max3A_1009 = arith.maximumf %get3A_1008, %max3A_991 : vector<1x128xf32>
      %swap3A_1010 = arith.constant 0 : index
      %swap3A_1011 = arith.constant 0 : index
      %swap3A_1012 = vector.load %arg16[%swap3A_1010, %swap3A_1011] : memref<1x128xf32, #tpu.memory_space<vmem>>, vector<1x128xf32>
      tpu.vector_store %arg16[%swap3A_1010, %swap3A_1011], %max3A_1009 {strides = array<i32>} : memref<1x128xf32, #tpu.memory_space<vmem>>, vector<1x128xf32>,
      %get3A_1013 = arith.constant 0 : index
      %get3A_1014 = arith.constant 0 : index
      %get3A_1015 = vector.load %arg17[%get3A_1013, %get3A_1014] : memref<1x128xf32, #tpu.memory_space<vmem>>, vector<1x128xf32>
      %add3A_1016 = arith.addf %get3A_1015, %add3A_992 : vector<1x128xf32>
      %swap3A_1017 = arith.constant 0 : index
      %swap3A_1018 = arith.constant 0 : index
      %swap3A_1019 = vector.load %arg17[%swap3A_1017, %swap3A_1018] : memref<1x128xf32, #tpu.memory_space<vmem>>, vector<1x128xf32>
      tpu.vector_store %arg17[%swap3A_1017, %swap3A_1018], %add3A_1016 {strides = array<i32>} : memref<1x128xf32, #tpu.memory_space<vmem>>, vector<1x128xf32>,
    } else {
    }
    %eq3A_1001 = arith.constant 4 : i32
    %eq3A_1002 = arith.cmpi eq, %arg0, %eq3A_1001 : i32
    %convert_element_type3A_1003 = arith.extui %eq3A_1002 : i1 to i32
    %cond3A_1004 = arith.constant 0 : i32
    %cond3A_1005 = arith.cmpi ne, %convert_element_type3A_1003, %cond3A_1004 : i32
    scf.if %cond3A_1005 {
      %get3A_1006 = arith.constant 0 : index
      %get3A_1007 = arith.constant 0 : index
      %get3A_1008 = vector.load %arg11[%get3A_1006, %get3A_1007] : memref<256x1xf32, #tpu.memory_space<vmem>>, vector<256x1xf32>
      %get3A_1009 = arith.constant 0 : index
      %get3A_1010 = arith.constant 0 : index
      %get3A_1011 = vector.load %arg16[%get3A_1009, %get3A_1010] : memref<1x128xf32, #tpu.memory_space<vmem>>, vector<1x128xf32>
      %slice3A_1012 = vector.extract_strided_slice %get3A_1008 {offsets = [0, 0], sizes = [128, 1], strides = [1, 1]} : vector<256x1xf32> to vector<128x1xf32>
      %dot_general3A_1013 = arith.constant dense<0.000000e+00> : vector<1x1xf32>
      %dot_general3A_1014 = tpu.matmul %get3A_1011, %slice3A_1012, %dot_general3A_1013 {dimension_numbers = #tpu.dot_dimension_numbers<[1], [0], [0], [1], [0, 0, 1, 1], [], []>, transpose_lhs_hint = false} : vector<1x128xf32>, vector<128x1xf32>, vector<1x1xf32> -> vector<1x1xf32>
      %get3A_1015 = arith.constant 0 : index
      %get3A_1016 = arith.constant 0 : index
      %get3A_1017 = vector.load %arg17[%get3A_1015, %get3A_1016] : memref<1x128xf32, #tpu.memory_space<vmem>>, vector<1x128xf32>
      %div3A_1018 = arith.constant 1.000000e+04 : f32
      %div3A_1019 = vector.broadcast %div3A_1018 : f32 to vector<1x128xf32>
      %div3A_1020 = arith.divf %get3A_1017, %div3A_1019 : vector<1x128xf32>
      %slice3A_1021 = vector.extract_strided_slice %get3A_1008 {offsets = [128, 0], sizes = [128, 1], strides = [1, 1]} : vector<256x1xf32> to vector<128x1xf32>
      %dot_general3A_1022 = arith.constant dense<0.000000e+00> : vector<1x1xf32>
      %dot_general3A_1023 = tpu.matmul %div3A_1020, %slice3A_1021, %dot_general3A_1022 {dimension_numbers = #tpu.dot_dimension_numbers<[1], [0], [0], [1], [0, 0, 1, 1], [], []>, transpose_lhs_hint = false} : vector<1x128xf32>, vector<128x1xf32>, vector<1x1xf32> -> vector<1x1xf32>
      %add3A_1024 = arith.addf %dot_general3A_1014, %dot_general3A_1023 : vector<1x1xf32>
      %get3A_1025 = arith.constant 0 : index
      %get3A_1026 = arith.constant 0 : index
      %get3A_1027 = vector.load %arg12[%get3A_1025, %get3A_1026] : memref<1x1xf32, #tpu.memory_space<vmem>>, vector<1x1xf32>
      %add3A_1028 = arith.addf %add3A_1024, %get3A_1027 : vector<1x1xf32>
      %logistic3A_1029 = arith.negf %add3A_1028 : vector<1x1xf32>
      %logistic3A_1030 = math.exp %logistic3A_1029 : vector<1x1xf32>
      %logistic3A_1031 = arith.constant 1.000000e+00 : f32
      %logistic3A_1032 = vector.broadcast %logistic3A_1031 : f32 to vector<1x1xf32>
      %logistic3A_1033 = arith.addf %logistic3A_1032, %logistic3A_1030 : vector<1x1xf32>
      %logistic3A_1034 = arith.divf %logistic3A_1032, %logistic3A_1033 : vector<1x1xf32>
      %swap3A_1035 = arith.constant 0 : index
      %swap3A_1036 = arith.constant 0 : index
      %swap3A_1037 = vector.load %arg15[%swap3A_1035, %swap3A_1036] : memref<1x1xf32, #tpu.memory_space<vmem>>, vector<1x1xf32>
      tpu.vector_store %arg15[%swap3A_1035, %swap3A_1036], %logistic3A_1034 {strides = array<i32>} : memref<1x1xf32, #tpu.memory_space<vmem>>, vector<1x1xf32>,
    } else {
    }
    return
  }
  func.func @transform_0(%arg0: i32) -> (i32, i32) {
    %c0_i32 = arith.constant 0 : i32
    %c0_i32_0 = arith.constant 0 : i32
    return %arg0, %c0_i32 : i32, i32
  }
  func.func @transform_1(%arg0: i32) -> (i32, i32, i32) {
    %c0_i32 = arith.constant 0 : i32
    %c0_i32_0 = arith.constant 0 : i32
    %c0_i32_1 = arith.constant 0 : i32
    return %c0_i32, %arg0, %c0_i32_0 : i32, i32, i32
  }
  func.func @transform_2(%arg0: i32) -> (i32, i32, i32) {
    %c0_i32 = arith.constant 0 : i32
    %c0_i32_0 = arith.constant 0 : i32
    %c0_i32_1 = arith.constant 0 : i32
    return %c0_i32, %arg0, %c0_i32_0 : i32, i32, i32
  }
  func.func @transform_3(%arg0: i32) -> (i32, i32) {
    %c0_i32 = arith.constant 0 : i32
    %c0_i32_0 = arith.constant 0 : i32
    %c0_i32_1 = arith.constant 0 : i32
    return %c0_i32, %c0_i32_0 : i32, i32
  }
  func.func @transform_4(%arg0: i32) -> (i32, i32) {
    %c0_i32 = arith.constant 0 : i32
    %c0_i32_0 = arith.constant 0 : i32
    %c0_i32_1 = arith.constant 0 : i32
    return %c0_i32, %c0_i32_0 : i32, i32
  }
  func.func @transform_5(%arg0: i32) -> (i32, i32) {
    %c0_i32 = arith.constant 0 : i32
    %c0_i32_0 = arith.constant 0 : i32
    %c0_i32_1 = arith.constant 0 : i32
    return %c0_i32, %c0_i32_0 : i32, i32
  }
  func.func @transform_6(%arg0: i32) -> (i32, i32) {
    %c0_i32 = arith.constant 0 : i32
    %c0_i32_0 = arith.constant 0 : i32
    %c0_i32_1 = arith.constant 0 : i32
    return %c0_i32, %c0_i32_0 : i32, i32
  }
  func.func @transform_7(%arg0: i32) -> (i32, i32) {
    %c0_i32 = arith.constant 0 : i32
    %c0_i32_0 = arith.constant 0 : i32
    %c0_i32_1 = arith.constant 0 : i32
    return %c0_i32, %c0_i32_0 : i32, i32
  }
  func.func @transform_8(%arg0: i32) -> (i32, i32) {
    %c0_i32 = arith.constant 0 : i32
    %c0_i32_0 = arith.constant 0 : i32
    %c0_i32_1 = arith.constant 0 : i32
    return %c0_i32, %c0_i32_0 : i32, i32
  }
  func.func @transform_9(%arg0: i32) -> (i32, i32) {
    %c0_i32 = arith.constant 0 : i32
    %c0_i32_0 = arith.constant 0 : i32
    %c0_i32_1 = arith.constant 0 : i32
    return %c0_i32, %c0_i32_0 : i32, i32
  }
  func.func @transform_10(%arg0: i32) -> (i32, i32) {
    %c0_i32 = arith.constant 0 : i32
    %c0_i32_0 = arith.constant 0 : i32
    %c0_i32_1 = arith.constant 0 : i32
    return %c0_i32, %c0_i32_0 : i32, i32
  }
  func.func @transform_11(%arg0: i32) -> (i32, i32) {
    %c0_i32 = arith.constant 0 : i32
    %c0_i32_0 = arith.constant 0 : i32
    %c0_i32_1 = arith.constant 0 : i32
    return %c0_i32, %c0_i32_0 : i32, i32
  }
  func.func @transform_12(%arg0: i32) -> (i32, i32) {
    %c0_i32 = arith.constant 0 : i32
    %c0_i32_0 = arith.constant 0 : i32
    return %arg0, %c0_i32 : i32, i32
  }
  func.func @transform_13(%arg0: i32) -> (i32, i32) {
    %c0_i32 = arith.constant 0 : i32
    %c0_i32_0 = arith.constant 0 : i32
    return %arg0, %c0_i32 : i32, i32
  }
  func.func @transform_14(%arg0: i32) -> (i32, i32) {
    %c0_i32 = arith.constant 0 : i32
    %c0_i32_0 = arith.constant 0 : i32
    %c0_i32_1 = arith.constant 0 : i32
    return %c0_i32, %c0_i32_0 : i32, i32
  }
}

</mosaic_0001>

<sc_bundles>
// kernel: kernel.4.cloned.1.call-start
scs
__scs_entry_jumppad:
0x0: {  	(pc) =	sbr.rel $0x88, $3  }
0x1: {  	(tag) =	ssettag $0x0;
	lr =	simm.s32 $0x1  }
0x2: {  	[smem:$0x3F96] =	sst lr;
	_ =	strace $0xD0000000  }
0x3: {  	_ = 	snop  }
0x4: {  	_ = 	snop  }
0x5: {  	_ = 	snop  }
0x6: {  	_ = 	snop  }
0x7: {  	_ = 	snop  }
__scs_overlays_trampoline_lowered:
0x8: {  	[smem:$0x3FA5] =	sst s0  }
0x9: {  	[smem:$0x3FA6] =	sst s1  }
0xa: {  	[smem:$0x3FA7] =	sst s2  }
0xb: {  	[smem:$0x3FA8] =	sst s3  }
0xc: {  	[smem:$0x3FA9] =	sst s4  }
0xd: {  	[smem:$0x3FAA] =	sst s5  }
0xe: {  	[smem:$0x3FAB] =	sst s6  }
0xf: {  	[smem:$0x3FAC] =	sst s7  }
0x10: {  	[smem:$0x3FAD] =	sst s8  }
0x11: {  	[smem:$0x3FAE] =	sst s9;
	s0 =	simm.s32 @!p0 $0x0  }
0x12: {  	s1 =	sld [smem:$0x3F94];
	s0 =	simm.s32 @p0 $0x1  }
0x13: {  	[smem:$0x3FAF] =	sst s0;
	s0 =	simm.s32 @!p1 $0x0  }
0x14: {  	s2 =	sld [smem:$0x3F93];
	s0 =	simm.s32 @p1 $0x1  }
0x15: {  	[smem:$0x3FB0] =	sst s0;
	s0 =	simm.s32 @!p2 $0x0  }
0x16: {  	s3 =	sld [smem:$0x3FDB];
	s0 =	simm.s32 @p2 $0x1  }
0x17: {  	s4 =	simm.s32 $0x1BF5;
	[smem:$0x3FB2] =	sst s0  }
0x18: {  	s0 =	sld [smem:$0x3F95];
	_ =	swait.ge [sflag:s4], $0x0  }
0x19: {  	s7 =	sld [smem:$0x3F96]  }
0x1a: {  	s8 =	sadd.s32 $0xFFFFE003, lr  }
0x1b: {  	s9 =	sadd.s32 $0xFFFFFEF7, lr;
	s5 =	simm.s32 $0xFFFFFFFF;
	p2 =	slt.u32 s8, $0xFFFFF086  }
0x1c: {  	p1 =	slt.u32 s9, $0xF7A;
	s5 =	simm.s32 @!p2 $0x0  }
0x1d: {  	s5 =	simm.s32 @p1 $0x1;
	p0 =	seq.s32 s7, s2  }
0x1e: {  	s7 =	smul.u32 @!p0 $0xF7A, s2;
	p2 =	seq.s32 @!p0 s5, $0x0  }
0x1f: {  	s9 =	smul.u32 $0xF7A, s1;
	s8 =	simm.s32 @!p0 $0x1BF5;
	p2 =	por !p2, p0  }
0x20: {  	[sflag:s8] =	ssyncset.s32 @!p0 $0xFFFFF086;
	s6 =	sadd.s32 @!p0 s3, s7;
	s7 =	simm.s32 @!p0 $0x108  }
0x21: {  	s3 =	sadd.s32 s3, s9;
	s6 =	sadd.s32 @!p0 $0x88, s6;
	s7 =	simm.s32 @p2 $0x1082  }
0x22: {  	[simem:s7], [sflag:s8] =	dma.local @!p0 [hbm:s6], $0xF7A  }
0x23: {  	s9 =	sor.u32 $0xD0000000, s2;
	s6 =	simm.s32 $0x108;
	_ =	swait.ge @!p0 [sflag:s8], $0x0  }
0x24: {  	s3 =	sadd.s32 $0x88, s3;
	s6 =	simm.s32 @!p1 $0x1082;
	[sflag:s4] =	ssyncset.s32 $0xFFFFF086  }
0x25: {  	[simem:s6], [sflag:s4] =	dma.local [hbm:s3], $0xF7A  }
0x26: {  	[smem:$0x3F96] =	sst s1;
	(tag) =	ssettag s2;
	_ =	strace s9  }
0x27: {  	s1 =	sld [smem:$0x3FA6]  }
0x28: {  	s2 =	sld [smem:$0x3FA7]  }
0x29: {  	s4 =	sld [smem:$0x3FA9]  }
0x2a: {  	p0 =	seq.s32 s5, $0x0;
	s5 =	sld [smem:$0x3FAA]  }
0x2b: {  	s6 =	sld [smem:$0x3FAB]  }
0x2c: {  	s7 =	sld [smem:$0x3FAC]  }
0x2d: {  	s3 =	simm.s32 $0x108;
	s8 =	sld [smem:$0x3FAD]  }
0x2e: {  	s3 =	simm.s32 @!p0 $0x1082;
	s9 =	sld [smem:$0x3FAE]  }
0x2f: {  	lr =	sadd.s32 s0, s3;
	s0 =	sld [smem:$0x3FA5]  }
0x30: {  	s3 =	sld [smem:$0x3FA8]  }
0x31: {  	[smem:$0x3FB1] =	sst s10  }
0x32: {  	s10 =	sld [smem:$0x3FAF];
	_ =	sdelay $0x3  }
0x33: {  	p0 =	seq.s32 s10, $0x1;
	s10 =	sld [smem:$0x3FB1];
	_ =	sdelay $0x3  }
0x34: {  	[smem:$0x3FB1] =	sst s10  }
0x35: {  	s10 =	sld [smem:$0x3FB0];
	_ =	sdelay $0x3  }
0x36: {  	p1 =	seq.s32 s10, $0x1;
	s10 =	sld [smem:$0x3FB1];
	_ =	sdelay $0x3  }
0x37: {  	[smem:$0x3FB1] =	sst s10  }
0x38: {  	s10 =	sld [smem:$0x3FB2]  }
0x39: {  	_ = 	snop;
	(pc) =	sbr.ind lr, $3  }
0x3a: {  	_ = 	snop  }
0x3b: {  	_ = 	snop  }
0x3c: {  	p2 =	seq.s32 s10, $0x1;
	s10 =	sld [smem:$0x3FB1]  }
0x3d: {  	_ =	shalt  }
0x3e: {  	_ =	shalt  }
0x3f: {  	_ =	shalt  }
0x40: {  	_ =	shalt  }
0x41: {  	_ =	shalt  }
0x42: {  	_ =	shalt  }
0x43: {  	_ =	shalt  }
0x44: {  	_ =	shalt  }
0x45: {  	_ =	shalt  }
0x46: {  	_ =	shalt  }
0x47: {  	_ =	shalt  }
0x48: {  	_ =	shalt  }
0x49: {  	_ =	shalt  }
0x4a: {  	_ =	shalt  }
0x4b: {  	_ =	shalt  }
0x4c: {  	_ =	shalt  }
0x4d: {  	_ =	shalt  }
0x4e: {  	_ =	shalt  }
0x4f: {  	_ =	shalt  }
0x50: {  	_ =	shalt  }
0x51: {  	_ =	shalt  }
0x52: {  	_ =	shalt  }
0x53: {  	_ =	shalt  }
0x54: {  	_ =	shalt  }
0x55: {  	_ =	shalt  }
0x56: {  	_ =	shalt  }
0x57: {  	_ =	shalt  }
0x58: {  	_ =	shalt  }
0x59: {  	_ =	shalt  }
0x5a: {  	_ =	shalt  }
0x5b: {  	_ =	shalt  }
0x5c: {  	_ =	shalt  }
0x5d: {  	_ =	shalt  }
0x5e: {  	_ =	shalt  }
0x5f: {  	_ =	shalt  }
0x60: {  	_ =	shalt  }
0x61: {  	_ =	shalt  }
0x62: {  	_ =	shalt  }
0x63: {  	_ =	shalt  }
0x64: {  	_ =	shalt  }
0x65: {  	_ =	shalt  }
0x66: {  	_ =	shalt  }
0x67: {  	_ =	shalt  }
0x68: {  	_ =	shalt  }
0x69: {  	_ =	shalt  }
0x6a: {  	_ =	shalt  }
0x6b: {  	_ =	shalt  }
0x6c: {  	_ =	shalt  }
0x6d: {  	_ =	shalt  }
0x6e: {  	_ =	shalt  }
0x6f: {  	_ =	shalt  }
0x70: {  	_ =	shalt  }
0x71: {  	_ =	shalt  }
0x72: {  	_ =	shalt  }
0x73: {  	_ =	shalt  }
0x74: {  	_ =	shalt  }
0x75: {  	_ =	shalt  }
0x76: {  	_ =	shalt  }
0x77: {  	_ =	shalt  }
0x78: {  	_ =	shalt  }
0x79: {  	_ =	shalt  }
0x7a: {  	_ =	shalt  }
0x7b: {  	_ =	shalt  }
0x7c: {  	_ =	shalt  }
0x7d: {  	_ =	shalt  }
0x7e: {  	_ =	shalt  }
0x7f: {  	_ =	shalt  }
0x80: {  	_ =	shalt  }
0x81: {  	_ =	shalt  }
0x82: {  	_ =	shalt  }
0x83: {  	_ =	shalt  }
0x84: {  	_ =	shalt  }
0x85: {  	_ =	shalt  }
0x86: {  	_ =	shalt  }
0x87: {  	_ =	shalt  }
.Lfunc_end0:
.L_simem_size_0:
called_computation_lowered:
.L_overlay_start_0:
0x88: {  	s2 =	sld [smem:$0x3FD9]  }
0x89: {  	s3 =	sld [smem:$0x3FFE];
	_ =	sdelay $0x1  }
0x8a: {  	s1 =	srdreg.scid  }
0x8b: {  	s0 =	sand.u32 $0x1, s1  }
0x8c: {  	s14 =	sshll.u32 s0, $0xA;
	s2 =	sadd.s32 s3, s2  }
0x8d: {  	s2 =	sadd.s32 s2, s14  }
0x8e: {  	[smem:$0x3FBD] =	sst s2  }
0x8f: {  	_ = 	snop  }
0x90: {  	s2 =	sld [smem:$0x3FD0];
	_ =	sdelay $0x2  }
0x91: {  	s15 =	simm.s32 $0xA;
	s4 =	simm.s32 $0x10  }
0x92: {  	[smem:s4], [sflag:s15] =	dma.local [hbm:s2], $0x1  }
0x93: {  	_ =	swait.eq [sflag:s15], $0x1  }
0x94: {  	[sflag:s15] =	ssyncset.done $0x0  }
0x95: {  	[sflag:s15] =	ssyncadd.s32 $0xFFFFFFFF  }
0x96: {  	s16 =	sld [smem:$0x11];
	(tm) =	ssettm $0x1  }
0x97: {  	s17 =	sld [smem:$0x3FFB];
	_ =	sdelay $0x3  }
0x98: {  	_ =	strace s17  }
0x99: {  	s3 =	sld [smem:$0x3FFC];
	_ =	sdelay $0x3  }
0x9a: {  	_ =	strace s3  }
0x9b: {  	s3 =	sld [smem:$0x3FFD];
	_ =	sdelay $0x3  }
0x9c: {  	_ =	strace s3  }
0x9d: {  	_ =	strace $0x8FFFFFFF  }
0x9e: {  	s18 =	sld [smem:$0x3FDB];
	_ =	sdelay $0x1  }
0x9f: {  	s19 =	simm.s32 $_scs_section_size  }
0xa0: {  	s5 =	simm.s32 $_size__tile_overlayer_lowered;
	s6 =	simm.s32 $_tile_overlayer_lowered  }
0xa1: {  	s22 =	simm.s32 $0x1BFF;
	s21 =	sshll.u32 s6, $0x1;
	s3 =	sadd.s32 s19, s18  }
0xa2: {  	s7 =	simm.s32 $0x0;
	s20 =	sshll.u32 s5, $0x1;
	s5 =	sadd.s32 s21, s3  }
0xa3: {  	[timem:s7], [sflag:s22] =	dma.local [hbm:s5], s20  }
0xa4: {  	_ =	swait.ge [sflag:s22], s20  }
0xa5: {  	s4 =	ssub.s32 $0x0, s20;
	[sflag:s22] =	ssyncset.done $0x0  }
0xa6: {  	[sflag:s22] =	ssyncadd.s32 s4;
	_ =	sdelay $0x1  }
0xa7: {  	s23 =	simm.s32 $0x1B8B  }
0xa8: {  	_ =	swait.ge [sflag:s23], $0x1  }
0xa9: {  	[sflag:s23] =	ssyncset.done $0x0  }
0xaa: {  	s25 =	simm.s32 $0x1B8E;
	s24 =	sld [smem:$0x3FFE];
	[sflag:s23] =	ssyncadd.s32 $0xFFFFFFFF  }
0xab: {  	s26 =	simm.s32 $execute0_lowered;
	[smem:$0x3FD2] =	sst s25  }
0xac: {  	s5 =	sshll.u32 s26, $0x1;
	_ =	strace $0x80000046;
	[dreg:$0x1] =	wrdreg $0xFFFFFFFF  }
0xad: {  	s28 =	simm.s32 $_size_execute0_lowered;
	s3 =	sadd.s32 s3, s5;
	[dreg:$0x0] =	wrdreg $0x0  }
0xae: {  	s5 =	sshll.u32 s28, $0x1;
	[dreg:$0x2] =	wrdreg s3  }
0xaf: {  	[dreg:$0x3] =	wrdreg s5  }
0xb0: {  	[dreg:$0x4] =	wrdreg $0xC0  }
0xb1: {  	_ =	task [dreg:s7], $0x5FFFF  }
0xb2: {  	[dreg:$0x1] =	wrdreg $0xFFFFFFFF  }
0xb3: {  	[dreg:$0x0] =	wrdreg $0x60  }
0xb4: {  	[dreg:$0x2] =	wrdreg s24  }
0xb5: {  	[dreg:$0x3] =	wrdreg s16  }
0xb6: {  	[dreg:$0x4] =	wrdreg $0xC6600  }
0xb7: {  	[dreg:$0x5] =	wrdreg $0xC8E00  }
0xb8: {  	[dreg:$0x6] =	wrdreg $0x9  }
0xb9: {  	_ =	task.clear_ibuf [dreg:s7], $0x7FFFF;
	_ =	strace $0x90000046  }
0xba: {  	s29 =	simm.s32 $0x9;
	_ =	strace $0x80000048  }
0xbb: {  	_ =	swait.ge [sflag:s29], $0x1  }
0xbc: {  	[sflag:s29] =	ssyncadd.s32 $0xFFFFFFFF  }
0xbd: {  	_ =	strace $0x90000048  }
0xbe: {  	_ =	sfence  }
0xbf: {  	s30 =	sld [smem:$0x0];
	_ =	sdelay $0x2  }
0xc0: {  	s31 =	sshll.u32 s1, $0xD;
	s1 =	sshrl.u32 s1, $0x2  }
0xc1: {  	s3 =	sand.u32 $0x4000, s31;
	s1 =	sadd.s32 s1, s30  }
0xc2: {  	s0 =	sor.u32 s3, s0;
	s1 =	sshll.u32 s1, $0x11  }
0xc3: {  	s0 =	sor.u32 s1, s0  }
0xc4: {  	s0 =	sadd.s32 $0x8F2B, s0  }
0xc5: {  	[sflag:s0] =	ssyncadd.remote.s32 $0x1  }
0xc6: {  	_ =	sfence.sel $0xFFFF  }
0xc7: {  	[dreg:$0x0] =	wrdreg $0xFFFFFFFF;
	(pc) =	sbr.abs _section_cstart, $3  }
0xc8: {  	[dreg:$0x1] =	wrdreg $0xFFFFFFFF  }
0xc9: {  	_ =	task.clear_ibuf [dreg:s7], $0x2FFFF;
	_ =	strace $0x9FFFFFFF  }
0xca: {  	(tm) =	ssettm $0x7FFFFFFF  }
0xcb: {  	_ =	shalt  }
tec
execute0_lowered:
.L_overlay_start_1:
0x0: {  	(tag) =	ssettag $0x1  }
0x1: {  	s6 =	rddreg [dreg:$0x0]  }
0x2: {  	s7 =	rddreg [dreg:$0x1]  }
0x3: {  	s1 =	rddreg [dreg:$0x2]  }
0x4: {  	s2 =	rddreg [dreg:$0x3];
	s3 =	srdreg.scid  }
0x5: {  	s0 =	rddreg [dreg:$0x4];
	s12 =	stileid.u32  }
0x6: {  	s15 =	simm.s32 $0x2710;
	s16 =	simm.s32 $0x7610;
	s17 =	simm.s32 $0x9E10  }
0x7: {  	s20 =	simm.s32 $0x50;
	s21 =	simm.s32 $0xC610;
	s22 =	simm.s32 $0x0  }
0x8: {  	s8 =	sand.u32 $0x1, s3;
	s3 =	simm.s32 $0x0;
	s13 =	smul.u32 $0x2710, s12  }
0x9: {  	p0 =	sne.s32 s12, $0x0;
	s4 =	sshll.u32 s8, $0x4;
	[smem:$0x7FF] =	sst s3  }
0xa: {  	s9 =	smul.u32 $0x500, s8;
	s29 =	ssub.s32 $0x2, s8;
	s18 =	sshrl.u32 @!p0 s1, $0x3  }
0xb: {  	s19 =	sshrl.u32 @!p0 s2, $0x3;
	s5 =	sor.u32 s12, s4;
	_ =	strace $0x80000047  }
0xc: {  	s4 =	sadd.s32 $0x1C00, s6;
	s8 =	sshrl.u32 s29, $0x1;
	s31 =	sand.u32 $0x70, s13  }
0xd: {  	s12 =	simm.s32 $0x1;
	s13 =	simm.s32 $0x2780;
	s10 =	smul.u32 $0x2710, s5  }
0xe: {  	s5 =	sadd.s32 $0x2200, s6;
	s9 =	sadd.s32 s9, s6;
	s14 =	ssub.s32 s29, s8  }
0xf: {  	v0 =	vlaneseq.u32;
	s8 =	sadd.s32 $0x2800, s9;
	s9 =	sadd.s32 $0x3200, s9;
	s11 =	sshrl.u32 s10, $0x3  }
0x10: {  	v5 =	vimm.f32 $1.000000000e+00;
	v1 =	vor.u32 $0x10, v0;
	s6 =	sand.u32 $0x70, s10;
	s10 =	smax.u32 s14, $0x1;
	s30 =	sand.u32 $0xFFF0, s11  }
0x11: {  	v2 =	vor.u32 $0x20, v0;
	v3 =	vor.u32 $0x30, v0;
	v4 =	vor.u32 $0x40, v0;
	s14 =	simm.s32 $0x4E200;
	s11 =	sor.u32 $0x4F00, s31;
	s7 =	sadd.s32 s7, s30  }
.LBB2_1:
0x12: {  	[tilespmem:s3], [sflag:$0x1] =	stream.linear.gather [hbm4b:s4+s3], $0x2710, $0x38;
	[tilespmem:$0xCB60] =	vst v63  }
0x13: {  	_ =	swait.ge [sflag:s12], $0x2710  }
0x14: {  	[sflag:s12] =	ssyncset.done $0x0  }
0x15: {  	[sflag:s12] =	ssyncadd.s32 $0xFFFFD8F0  }
0x16: {  	[tilespmem:s15], [sflag:$0x1] =	stream.strided.gather [hbm4b:s7+s13], $0x4F00, s14, s13, $0x38;
	[tilespmem:$0xCB60] =	vst v63  }
0x17: {  	_ =	swait.ge [sflag:s12], $0x4F00  }
0x18: {  	[sflag:s12] =	ssyncset.done $0x0  }
0x19: {  	[sflag:s12] =	ssyncadd.s32 $0xFFFFB100  }
0x1a: {  	[tilespmem:s16], [sflag:$0x1] =	stream.linear.gather [hbm4b:s5+s3], $0x2800, $0x38;
	[tilespmem:$0xCB60] =	vst v63  }
0x1b: {  	_ =	swait.ge [sflag:s12], $0x2800  }
0x1c: {  	[sflag:s12] =	ssyncset.done $0x0  }
0x1d: {  	[sflag:s12] =	ssyncadd.s32 $0xFFFFD800  }
0x1e: {  	[tilespmem:s17], [sflag:$0x1] =	stream.linear.gather [hbm4b:s5+s3], $0x2800, $0x38;
	[tilespmem:$0xCB60] =	vst v63  }
0x1f: {  	_ =	swait.ge [sflag:s12], $0x2800  }
0x20: {  	[sflag:s12] =	ssyncset.done $0x0  }
0x21: {  	s23 =	simm.s32 @!p0 $0x1C01;
	s24 =	simm.s32 @!p0 $0x1;
	[sflag:s12] =	ssyncadd.s32 $0xFFFFD800  }
0x22: {  	[spmem:s18], [sflag:s23] =	dma.local @!p0 [hbm:s5], $0x500  }
0x23: {  	_ =	swait.ge @!p0 [sflag:s24], $0x500  }
0x24: {  	[sflag:s24] =	ssyncset.done @!p0 $0x0  }
0x25: {  	[sflag:s24] =	ssyncadd.s32 @!p0 $0xFFFFFB00  }
0x26: {  	[spmem:s19], [sflag:s23] =	dma.local @!p0 [hbm:s5], $0x500  }
0x27: {  	_ =	swait.ge @!p0 [sflag:s24], $0x500  }
0x28: {  	[sflag:s24] =	ssyncset.done @!p0 $0x0  }
0x29: {  	[sflag:s24] =	ssyncadd.s32 @!p0 $0xFFFFFB00  }
0x2a: {  	[tilespmem:$0xC610] =	vst v0  }
0x2b: {  	[tilespmem:$0xC620] =	vst v1  }
0x2c: {  	[tilespmem:$0xC630] =	vst v2  }
0x2d: {  	[tilespmem:$0xC640] =	vst v3  }
0x2e: {  	[tilespmem:$0xC650] =	vst v4  }
0x2f: {  	v6 =	vld [tilespmem:s11+$0xFFFFD880]  }
0x30: {  	v7 =	vld [tilespmem:s11+$0xFFFFD820]  }
0x31: {  	v8 =	vld [tilespmem:s11+$0xFFFFD830]  }
0x32: {  	v9 =	vld [tilespmem:s11+$0xFFFFD840]  }
0x33: {  	v10 =	vld [tilespmem:s11+$0xFFFFD850]  }
0x34: {  	v11 =	vld [tilespmem:s11+$0xFFFFD860]  }
0x35: {  	v12 =	vld [tilespmem:s11+$0x0]  }
0x36: {  	v13 =	vld [tilespmem:s11+$0xFFFFD870]  }
0x37: {  	v14 =	vld [tilespmem:s11+$0xFFFFD810]  }
0x38: {  	v63 =	vld [tilespmem:s11+$0xFFFFFF90]  }
0x39: {  	v15 =	vld [tilespmem:s11+$0xFFFFFFA0]  }
0x3a: {  	v16 =	vld [tilespmem:s11+$0xFFFFFFB0]  }
0x3b: {  	v17 =	vld [tilespmem:s11+$0xFFFFFFC0]  }
0x3c: {  	v18 =	vld [tilespmem:s11+$0xFFFFFFD0]  }
0x3d: {  	v19 =	vld [tilespmem:s11+$0xFFFFFFE0]  }
0x3e: {  	v6 =	vld.idx.msk [tilespmem:v6+s3+$0x0], $0xffff  }
0x3f: {  	v7 =	vld.idx.msk [tilespmem:v7+s3+$0x0], $0xffff  }
0x40: {  	v8 =	vld.idx.msk [tilespmem:v8+s3+$0x0], $0xffff  }
0x41: {  	v9 =	vld.idx.msk [tilespmem:v9+s3+$0x0], $0xffff  }
0x42: {  	v10 =	vld.idx.msk [tilespmem:v10+s3+$0x0], $0xffff  }
0x43: {  	v62 =	vld.idx.msk [tilespmem:v14+s3+$0x0], $0xffff  }
0x44: {  	v11 =	vld.idx.msk [tilespmem:v11+s3+$0x0], $0xffff  }
0x45: {  	v13 =	vld.idx.msk [tilespmem:v13+s3+$0x0], $0xffff  }
0x46: {  	[tilespmem:v12+s16+$0x0] =	vst.idx.add.f32.msk $0xffff, v6  }
0x47: {  	v6 =	vld [tilespmem:s11+$0xFFFFFFF0]  }
0x48: {  	[tilespmem:v63+s16+$0x0] =	vst.idx.add.f32.msk $0xffff, v62  }
0x49: {  	[tilespmem:v15+s16+$0x0] =	vst.idx.add.f32.msk $0xffff, v7  }
0x4a: {  	[tilespmem:v16+s16+$0x0] =	vst.idx.add.f32.msk $0xffff, v8  }
0x4b: {  	[tilespmem:v17+s16+$0x0] =	vst.idx.add.f32.msk $0xffff, v9  }
0x4c: {  	[tilespmem:v18+s16+$0x0] =	vst.idx.add.f32.msk $0xffff, v10  }
0x4d: {  	[tilespmem:v19+s16+$0x0] =	vst.idx.add.f32.msk $0xffff, v11  }
0x4e: {  	[tilespmem:v12+s17+$0x0] =	vst.idx.add.f32.msk $0xffff, v5  }
0x4f: {  	[tilespmem:v63+s17+$0x0] =	vst.idx.add.f32.msk $0xffff, v5  }
0x50: {  	[tilespmem:v15+s17+$0x0] =	vst.idx.add.f32.msk $0xffff, v5  }
0x51: {  	[tilespmem:v16+s17+$0x0] =	vst.idx.add.f32.msk $0xffff, v5  }
0x52: {  	[tilespmem:v17+s17+$0x0] =	vst.idx.add.f32.msk $0xffff, v5  }
0x53: {  	[tilespmem:v18+s17+$0x0] =	vst.idx.add.f32.msk $0xffff, v5  }
0x54: {  	[tilespmem:v19+s17+$0x0] =	vst.idx.add.f32.msk $0xffff, v5  }
0x55: {  	s23 =	simm.s32 $0x0;
	s24 =	sadd.s32 $0x80, s11;
	[tilespmem:v6+s16+$0x0] =	vst.idx.add.f32.msk $0xffff, v13  }
.LBB2_2:
0x56: {  	v7 =	vld [tilespmem:s24+$0xFFFFD880]  }
0x57: {  	s23 =	sadd.s32 $0x8, s23;
	v8 =	vld [tilespmem:s24+$0xFFFFD820]  }
0x58: {  	p1 =	slt.u32 s23, $0x268;
	v9 =	vld [tilespmem:s24+$0xFFFFD830]  }
0x59: {  	v10 =	vld [tilespmem:s24+$0xFFFFD840]  }
0x5a: {  	v11 =	vld [tilespmem:s24+$0xFFFFD850]  }
0x5b: {  	v12 =	vld [tilespmem:s24+$0xFFFFD860]  }
0x5c: {  	v13 =	vld [tilespmem:s24+$0x0]  }
0x5d: {  	v14 =	vld [tilespmem:s24+$0xFFFFD870]  }
0x5e: {  	v7 =	vld.idx.msk [tilespmem:v7+s3+$0x0], $0xffff  }
0x5f: {  	v15 =	vld [tilespmem:s24+$0xFFFFD810]  }
0x60: {  	v8 =	vld.idx.msk [tilespmem:v8+s3+$0x0], $0xffff  }
0x61: {  	v9 =	vld.idx.msk [tilespmem:v9+s3+$0x0], $0xffff  }
0x62: {  	v10 =	vld.idx.msk [tilespmem:v10+s3+$0x0], $0xffff  }
0x63: {  	v11 =	vld.idx.msk [tilespmem:v11+s3+$0x0], $0xffff  }
0x64: {  	[tilespmem:v13+s16+$0x0] =	vst.idx.add.f32.msk $0xffff, v7  }
0x65: {  	[tilespmem:v13+s17+$0x0] =	vst.idx.add.f32.msk $0xffff, v5  }
0x66: {  	v7 =	vld.idx.msk [tilespmem:v12+s3+$0x0], $0xffff  }
0x67: {  	v12 =	vld.idx.msk [tilespmem:v15+s3+$0x0], $0xffff  }
0x68: {  	v13 =	vld.idx.msk [tilespmem:v14+s3+$0x0], $0xffff  }
0x69: {  	v14 =	vld [tilespmem:s24+$0xFFFFFF90]  }
0x6a: {  	v15 =	vld [tilespmem:s24+$0xFFFFFFA0]  }
0x6b: {  	v16 =	vld [tilespmem:s24+$0xFFFFFFB0]  }
0x6c: {  	v17 =	vld [tilespmem:s24+$0xFFFFFFC0]  }
0x6d: {  	v18 =	vld [tilespmem:s24+$0xFFFFFFD0]  }
0x6e: {  	v19 =	vld [tilespmem:s24+$0xFFFFFFE0]  }
0x6f: {  	v20 =	vld [tilespmem:s24+$0xFFFFFFF0]  }
0x70: {  	[tilespmem:v6+s17+$0x0] =	vst.idx.add.f32.msk $0xffff, v5  }
0x71: {  	[tilespmem:v14+s16+$0x0] =	vst.idx.add.f32.msk $0xffff, v12  }
0x72: {  	[tilespmem:v14+s17+$0x0] =	vst.idx.add.f32.msk $0xffff, v5  }
0x73: {  	[tilespmem:v15+s16+$0x0] =	vst.idx.add.f32.msk $0xffff, v8  }
0x74: {  	[tilespmem:v15+s17+$0x0] =	vst.idx.add.f32.msk $0xffff, v5;
	v6 =	vmov v20  }
0x75: {  	[tilespmem:v16+s16+$0x0] =	vst.idx.add.f32.msk $0xffff, v9  }
0x76: {  	[tilespmem:v16+s17+$0x0] =	vst.idx.add.f32.msk $0xffff, v5  }
0x77: {  	[tilespmem:v17+s16+$0x0] =	vst.idx.add.f32.msk $0xffff, v10  }
0x78: {  	[tilespmem:v17+s17+$0x0] =	vst.idx.add.f32.msk $0xffff, v5  }
.Ltmp0:
0x79: {  	[tilespmem:v18+s16+$0x0] =	vst.idx.add.f32.msk $0xffff, v11;
	(pc) =	sbr.rel @p1 .LBB2_2-.Ltmp0, $4  }
0x7a: {  	[tilespmem:v18+s17+$0x0] =	vst.idx.add.f32.msk $0xffff, v5  }
0x7b: {  	[tilespmem:v19+s16+$0x0] =	vst.idx.add.f32.msk $0xffff, v7  }
0x7c: {  	[tilespmem:v19+s17+$0x0] =	vst.idx.add.f32.msk $0xffff, v5  }
0x7d: {  	s24 =	sadd.s32 $0x80, s24;
	[tilespmem:v20+s16+$0x0] =	vst.idx.add.f32.msk $0xffff, v13  }
0x7e: {  	_ =	sdelay $0x3  }
0x7f: {  	[tilespmem:v6+s17+$0x0] =	vst.idx.add.f32.msk $0xffff, v5  }
0x80: {  	v6 =	vld [tilespmem:s6+$0x4E10];
	_ =	sdelay $0x4  }
0x81: {  	v7 =	vld [tilespmem:s6+$0x7590];
	_ =	sdelay $0x2  }
0x82: {  	v6 =	vld.idx.msk [tilespmem:v6+s3+$0x0], $0xffff;
	_ =	sdelay $0x4  }
0x83: {  	[tilespmem:v7+s16+$0x0] =	vst.idx.add.f32.msk $0xffff, v6  }
0x84: {  	[tilespmem:v7+s17+$0x0] =	vst.idx.add.f32.msk $0xffff, v5  }
0x85: {  	[bflag:$0x0] =	sbarrier.arrive $0xFFFF  }
0x86: {  	[spmem:s1] =	stream.indirect.scatter.add.f32 [tilespmem:s16], [sflag:$0x1], $0x80, s21, s20, $0xb8;
	[tilespmem:$0xCB60] =	vst v63  }
0x87: {  	_ =	swait.ge [sflag:s12], $0x2800  }
0x88: {  	[sflag:s12] =	ssyncset.done $0x0  }
0x89: {  	[sflag:s12] =	ssyncadd.s32 $0xFFFFD800  }
0x8a: {  	[spmem:s2] =	stream.indirect.scatter.add.f32 [tilespmem:s17], [sflag:$0x1], $0x80, s21, s20, $0xb8;
	[tilespmem:$0xCB60] =	vst v63  }
0x8b: {  	_ =	swait.ge [sflag:s12], $0x2800  }
0x8c: {  	[sflag:s12] =	ssyncset.done $0x0  }
0x8d: {  	[sflag:s12] =	ssyncadd.s32 $0xFFFFD800  }
0x8e: {  	s23 =	simm.s32 @!p0 $0x1C01;
	s24 =	simm.s32 @!p0 $0x1;
	[bflag:$0x0] =	sbarrier.arrive $0xFFFF  }
0x8f: {  	[hbm:s8], [sflag:s23] =	dma.local @!p0 [spmem:s18], $0x500  }
0x90: {  	s22 =	sadd.s32 $0x1, s22;
	_ =	swait.ge @!p0 [sflag:s24], $0x500  }
0x91: {  	p1 =	sne.s32 s22, s10;
	[sflag:s24] =	ssyncset.done @!p0 $0x0  }
.Ltmp1:
0x92: {  	[sflag:s24] =	ssyncadd.s32 @!p0 $0xFFFFFB00;
	(pc) =	sbr.rel @p1 .LBB2_1-.Ltmp1, $4  }
0x93: {  	[hbm:s9], [sflag:s23] =	dma.local @!p0 [spmem:s19], $0x500  }
0x94: {  	_ =	swait.ge @!p0 [sflag:s24], $0x500  }
0x95: {  	[sflag:s24] =	ssyncset.done @!p0 $0x0  }
0x96: {  	[sflag:s24] =	ssyncadd.s32 @!p0 $0xFFFFFB00  }
0x97: {  	_ =	sfence.sel $0x180000  }
0x98: {  	[bflag:$0x0] =	sbarrier.arrive $0xFFFF  }
0x99: {  	_ =	strace $0x90000047  }
0x9a: {  	s0 =	sadd.s32 @!p0 $0x100000, s0;
	[bflag:$0x2] =	sbarrier.arrive $0xFFFF  }
0x9b: {  	[sflag:s0] =	ssyncadd.tile.s32 @!p0 $0x1;
	_ =	shalt  }
.Lfunc_end2:
_tile_overlayer_lowered:
.L_overlay_start_2:
0x9c: {  	(tag) =	ssettag $0x2  }
0x9d: {  	s0 =	rddreg [dreg:$0x0];
	s2 =	stileid.u32  }
0x9e: {  	s1 =	rddreg [dreg:$0x1];
	p0 =	sne.s32 s2, $0x0  }
0x9f: {  	s3 =	rddreg [dreg:$0x2];
	[bflag:$0x3] =	sbarrier.arrive $0xFFFF;
	s2 =	simm.s32 @!p0 $0x1C01  }
0xa0: {  	[timem:s3], [sflag:s2] =	dma.local @!p0 [hbm:s0], s1  }
0xa1: {  	s0 =	simm.s32 @!p0 $0x1  }
0xa2: {  	_ =	swait.ge @!p0 [sflag:s0], s1  }
0xa3: {  	s1 =	ssub.s32 @!p0 $0x0, s1;
	[sflag:s0] =	ssyncset.done @!p0 $0x0  }
0xa4: {  	[sflag:s0] =	ssyncadd.s32 @!p0 s1  }
0xa5: {  	[bflag:$0x3] =	sbarrier.arrive $0xFFFF  }
0xa6: {  	_ =	shalt  }

</sc_bundles>
